<compile_context>
chip_gen: v7x
topology: tpu7x:2x2x1
jax: 0.10.2.dev20260603
libtpu: 0.0.44.dev20260713+nightly
codegen_flags: <defaults>
</compile_context>

<pallas_src>
import functools

import jax
import jax.numpy as jnp
from jax import lax
from jax.experimental import pallas as pl
from jax.experimental.pallas import tpu as pltpu
from jax.experimental.pallas import tpu_sc as plsc

B, N, M = 2048, 8192, 8192
INV_RES = 8192.0
T_LAST = 8191.0

_info = plsc.get_sparse_core_info()
NC, NS, L = _info.num_cores, _info.num_subcores, _info.num_lanes
NW = NC * NS
ROWS_PER_W = B // NW

_mesh = plsc.VectorSubcoreMesh(core_axis_name="c", subcore_axis_name="s")


@functools.partial(
    pl.kernel,
    mesh=_mesh,
    out_type=jax.ShapeDtypeStruct((B, M), jnp.float32),
    scratch_types=[
        [pltpu.VMEM((N,), jnp.float32) for _ in range(2)],
        [pltpu.VMEM((M,), jnp.float32) for _ in range(2)],
        [pltpu.VMEM((M,), jnp.float32) for _ in range(2)],
        [pltpu.SemaphoreType.DMA for _ in range(2)],
        [pltpu.SemaphoreType.DMA for _ in range(2)],
        [pltpu.SemaphoreType.DMA for _ in range(2)],
    ],
    compiler_params=pltpu.CompilerParams(needs_layout_passes=False, disable_bounds_checks=True),
)
def _sc_interp(x_hbm, wl_hbm, out_hbm, xb, wb, ob, sx, sw, so):
    wid = lax.axis_index("s") * NC + lax.axis_index("c")
    row0 = wid * ROWS_PER_W

    pltpu.async_copy(x_hbm.at[row0], xb[0], sx[0])
    pltpu.async_copy(wl_hbm.at[row0], wb[0], sw[0])

    def pair_body(rr, carry):
        for b in range(2):
            r = rr * 2 + b
            row = row0 + r

            nxt = 1 - b
            if b == 0:
                pltpu.async_copy(x_hbm.at[row + 1], xb[nxt], sx[nxt])
                pltpu.async_copy(wl_hbm.at[row + 1], wb[nxt], sw[nxt])
            else:

                @pl.when(rr < ROWS_PER_W // 2 - 1)
                def _():
                    pltpu.async_copy(x_hbm.at[row + 1], xb[nxt], sx[nxt])
                    pltpu.async_copy(wl_hbm.at[row + 1], wb[nxt], sw[nxt])

            pltpu.make_async_copy(x_hbm.at[row], xb[b], sx[b]).wait()
            pltpu.make_async_copy(wl_hbm.at[row], wb[b], sw[b]).wait()

            @pl.when(rr > 0)
            def _():
                pltpu.make_async_copy(ob[b], out_hbm.at[row - 2], so[b]).wait()

            xrow, wlrow, outrow = xb[b], wb[b], ob[b]

            @plsc.parallel_loop(0, M, L, unroll=8)
            def vec_body(i):
                v = wlrow[pl.ds(i, L)]
                t = v * INV_RES
                tc = jnp.minimum(t, T_LAST)
                it = tc.astype(jnp.int32)
                itf = it.astype(jnp.float32)
                idx = jnp.where(tc > itf, it, it - 1)
                idx = jnp.maximum(idx, 0)
                y0 = plsc.load_gather(xrow, [idx])
                y1 = plsc.load_gather(xrow, [idx + 1])
                frac = tc - idx.astype(jnp.float32)
                ynew = y0 + frac * (y1 - y0)
                outrow[pl.ds(i, L)] = jnp.where(t > T_LAST, 0.0, ynew)

            pltpu.async_copy(ob[b], out_hbm.at[row], so[b])
        return carry

    lax.fori_loop(0, ROWS_PER_W // 2, pair_body, 0)

    last = row0 + ROWS_PER_W
    pltpu.make_async_copy(ob[0], out_hbm.at[last - 2], so[0]).wait()
    pltpu.make_async_copy(ob[1], out_hbm.at[last - 1], so[1]).wait()


def kernel(x_latent, wavelength, lam_grid):
    del lam_grid
    return _sc_interp(x_latent, wavelength)

# --- scband reference (transcript-rebuilt; emitter-appended) ---
"""Pipeline reference for scband-latent-spectral-grid-81819126989380 (READ-ONLY COPY).

The authoritative reference and input builder live on the scoring server;
editing this copy changes nothing except your own understanding.
"""

import jax, jax.numpy as jnp
import numpy as np

B, N, M = 2048, 8192, 8192
LAMBDA_MIN = 0.0
RESOLUTION = 1.0 / 8192.0


def _interp1d(x, y, xnew, mask_value=0.0):
    # x: [b, n] sorted, y: [b, n], xnew: [b, m]
    indices = jax.vmap(lambda a, v: jnp.searchsorted(a, v))(x, xnew) - 1
    indices = jnp.clip(indices, 0, x.shape[1] - 2)
    slopes = (y[:, :-1] - y[:, 1:]) / (x[:, :-1] - x[:, 1:])
    gy = jnp.take_along_axis(y, indices, axis=1)
    gx = jnp.take_along_axis(x, indices, axis=1)
    gs = jnp.take_along_axis(slopes, indices, axis=1)
    ynew = gy + (xnew - gx) * gs
    mask = (xnew < x[:, :1]) | (xnew > x[:, -1:])
    return jnp.where(mask, mask_value, ynew)


def setup_inputs(seed: int = 0) -> dict:
    key = jax.random.key(seed)
    k1, k2 = jax.random.split(key)
    x_latent = jax.random.normal(k1, (B, N), dtype=jnp.float32)
    wavelength = jax.random.uniform(k2, (B, M), dtype=jnp.float32)
    lam_grid = jnp.broadcast_to(
        (jnp.arange(N, dtype=jnp.float32) * RESOLUTION + LAMBDA_MIN)[None, :], (B, N)
    )
    return {"x_latent": x_latent, "wavelength": wavelength, "lam_grid": lam_grid}


def reference(x_latent, wavelength, lam_grid):
    # LatentSpectralGrid.to_observed: interp latent spectrum onto observed grid
    return _interp1d(lam_grid, x_latent, wavelength, mask_value=0.0)

if __name__ == "__main__":
    import jax
    _d = setup_inputs()
    print(jax.jit(kernel)(*tuple(_d.values())))

</pallas_src>

<mosaic_0001>
#map = affine_map<(d0, d1) -> (0, 0)>
module attributes {stable_mosaic.version = 14 : i64} {
  func.func @_sc_interp(%arg0: i32, %arg1: i32, %arg2: memref<2048x8192xf32, #tpu.memory_space<hbm>>, %arg3: memref<2048x8192xf32, #tpu.memory_space<hbm>>, %arg4: memref<2048x8192xf32, #tpu.memory_space<hbm>>, %arg5: memref<8192xf32, #tpu.memory_space<vmem>>, %arg6: memref<8192xf32, #tpu.memory_space<vmem>>, %arg7: memref<8192xf32, #tpu.memory_space<vmem>>, %arg8: memref<8192xf32, #tpu.memory_space<vmem>>, %arg9: memref<8192xf32, #tpu.memory_space<vmem>>, %arg10: memref<8192xf32, #tpu.memory_space<vmem>>, %arg11: memref<!tpu.dma_semaphore, #tpu.memory_space<semaphore_mem>>, %arg12: memref<!tpu.dma_semaphore, #tpu.memory_space<semaphore_mem>>, %arg13: memref<!tpu.dma_semaphore, #tpu.memory_space<semaphore_mem>>, %arg14: memref<!tpu.dma_semaphore, #tpu.memory_space<semaphore_mem>>, %arg15: memref<!tpu.dma_semaphore, #tpu.memory_space<semaphore_mem>>, %arg16: memref<!tpu.dma_semaphore, #tpu.memory_space<semaphore_mem>>) attributes {dimension_semantics = [#tpu.dimension_semantics<core_parallel>, #tpu.dimension_semantics<subcore_parallel>], iteration_bounds = array<i64: 2, 16>, scalar_prefetch = 0 : i64, scratch_operands = 12 : i64, tpu.core_type = #tpu.core_type<sc_vector_subcore>, window_params = [{transform_indices = #map}, {transform_indices = #map}, {transform_indices = #map}]} {
    %mul3A = arith.constant 2 : i32
    %mul3A_0 = arith.muli %arg1, %mul3A : i32
    %add3A = arith.addi %mul3A_0, %arg0 : i32
    %mul3A_1 = arith.constant 64 : i32
    %mul3A_2 = arith.muli %add3A, %mul3A_1 : i32
    %dma_start3A = arith.constant 0 : i32
    %dma_start3A_3 = tpu.memref_slice %arg2[%mul3A_2, %dma_start3A] : memref<2048x8192xf32, #tpu.memory_space<hbm>> -> memref<1x8192xf32, #tpu.memory_space<hbm>>
    %dma_start3A_4 = tpu.memref_squeeze %dma_start3A_3 : memref<1x8192xf32, #tpu.memory_space<hbm>> -> memref<8192xf32, #tpu.memory_space<hbm>>
    %dma_start3A_5 = arith.constant 0 : i32
    %dma_start3A_6 = tpu.memref_slice %arg2[%mul3A_2, %dma_start3A_5] : memref<2048x8192xf32, #tpu.memory_space<hbm>> -> memref<1x8192xf32, #tpu.memory_space<hbm>>
    %dma_start3A_7 = tpu.memref_squeeze %dma_start3A_6 : memref<1x8192xf32, #tpu.memory_space<hbm>> -> memref<8192xf32, #tpu.memory_space<hbm>>
    tpu.enqueue_dma source(%dma_start3A_7 : memref<8192xf32, #tpu.memory_space<hbm>>) target(%arg5 : memref<8192xf32, #tpu.memory_space<vmem>>) target_semaphore(%arg11 : memref<!tpu.dma_semaphore, #tpu.memory_space<semaphore_mem>>)
    %dma_start3A_8 = arith.constant 0 : i32
    %dma_start3A_9 = tpu.memref_slice %arg3[%mul3A_2, %dma_start3A_8] : memref<2048x8192xf32, #tpu.memory_space<hbm>> -> memref<1x8192xf32, #tpu.memory_space<hbm>>
    %dma_start3A_10 = tpu.memref_squeeze %dma_start3A_9 : memref<1x8192xf32, #tpu.memory_space<hbm>> -> memref<8192xf32, #tpu.memory_space<hbm>>
    %dma_start3A_11 = arith.constant 0 : i32
    %dma_start3A_12 = tpu.memref_slice %arg3[%mul3A_2, %dma_start3A_11] : memref<2048x8192xf32, #tpu.memory_space<hbm>> -> memref<1x8192xf32, #tpu.memory_space<hbm>>
    %dma_start3A_13 = tpu.memref_squeeze %dma_start3A_12 : memref<1x8192xf32, #tpu.memory_space<hbm>> -> memref<8192xf32, #tpu.memory_space<hbm>>
    tpu.enqueue_dma source(%dma_start3A_13 : memref<8192xf32, #tpu.memory_space<hbm>>) target(%arg7 : memref<8192xf32, #tpu.memory_space<vmem>>) target_semaphore(%arg13 : memref<!tpu.dma_semaphore, #tpu.memory_space<semaphore_mem>>)
    %scan3A = arith.constant 0 : i32
    %scan3A_14 = arith.constant 0 : i32
    %scan3A_15 = arith.constant 32 : i32
    %scan3A_16 = arith.addi %scan3A_14, %scan3A_15 : i32
    %scan3A_17 = arith.constant 1 : i32
    scf.for %scan3A_35 = %scan3A_14 to %scan3A_16 step %scan3A_17  : i32 {
      %mul3A_36 = arith.constant 2 : i32
      %mul3A_37 = arith.muli %scan3A_35, %mul3A_36 : i32
      %add3A_38 = arith.constant 0 : i32
      %add3A_39 = arith.addi %mul3A_37, %add3A_38 : i32
      %add3A_40 = arith.addi %mul3A_2, %add3A_39 : i32
      %add3A_41 = arith.constant 1 : i32
      %add3A_42 = arith.addi %add3A_40, %add3A_41 : i32
      %dma_start3A_43 = arith.constant 0 : i32
      %dma_start3A_44 = tpu.memref_slice %arg2[%add3A_42, %dma_start3A_43] : memref<2048x8192xf32, #tpu.memory_space<hbm>> -> memref<1x8192xf32, #tpu.memory_space<hbm>>
      %dma_start3A_45 = tpu.memref_squeeze %dma_start3A_44 : memref<1x8192xf32, #tpu.memory_space<hbm>> -> memref<8192xf32, #tpu.memory_space<hbm>>
      %dma_start3A_46 = arith.constant 0 : i32
      %dma_start3A_47 = tpu.memref_slice %arg2[%add3A_42, %dma_start3A_46] : memref<2048x8192xf32, #tpu.memory_space<hbm>> -> memref<1x8192xf32, #tpu.memory_space<hbm>>
      %dma_start3A_48 = tpu.memref_squeeze %dma_start3A_47 : memref<1x8192xf32, #tpu.memory_space<hbm>> -> memref<8192xf32, #tpu.memory_space<hbm>>
      tpu.enqueue_dma source(%dma_start3A_48 : memref<8192xf32, #tpu.memory_space<hbm>>) target(%arg6 : memref<8192xf32, #tpu.memory_space<vmem>>) target_semaphore(%arg12 : memref<!tpu.dma_semaphore, #tpu.memory_space<semaphore_mem>>)
      %add3A_49 = arith.constant 1 : i32
      %add3A_50 = arith.addi %add3A_40, %add3A_49 : i32
      %dma_start3A_51 = arith.constant 0 : i32
      %dma_start3A_52 = tpu.memref_slice %arg3[%add3A_50, %dma_start3A_51] : memref<2048x8192xf32, #tpu.memory_space<hbm>> -> memref<1x8192xf32, #tpu.memory_space<hbm>>
      %dma_start3A_53 = tpu.memref_squeeze %dma_start3A_52 : memref<1x8192xf32, #tpu.memory_space<hbm>> -> memref<8192xf32, #tpu.memory_space<hbm>>
      %dma_start3A_54 = arith.constant 0 : i32
      %dma_start3A_55 = tpu.memref_slice %arg3[%add3A_50, %dma_start3A_54] : memref<2048x8192xf32, #tpu.memory_space<hbm>> -> memref<1x8192xf32, #tpu.memory_space<hbm>>
      %dma_start3A_56 = tpu.memref_squeeze %dma_start3A_55 : memref<1x8192xf32, #tpu.memory_space<hbm>> -> memref<8192xf32, #tpu.memory_space<hbm>>
      tpu.enqueue_dma source(%dma_start3A_56 : memref<8192xf32, #tpu.memory_space<hbm>>) target(%arg8 : memref<8192xf32, #tpu.memory_space<vmem>>) target_semaphore(%arg14 : memref<!tpu.dma_semaphore, #tpu.memory_space<semaphore_mem>>)
      %dma_wait3A_57 = arith.constant 0 : i32
      %dma_wait3A_58 = tpu.memref_slice %arg2[%add3A_40, %dma_wait3A_57] : memref<2048x8192xf32, #tpu.memory_space<hbm>> -> memref<1x8192xf32, #tpu.memory_space<hbm>>
      %dma_wait3A_59 = tpu.memref_squeeze %dma_wait3A_58 : memref<1x8192xf32, #tpu.memory_space<hbm>> -> memref<8192xf32, #tpu.memory_space<hbm>>
      %dma_wait3A_60 = arith.constant 0 : i32
      %dma_wait3A_61 = tpu.memref_slice %arg2[%add3A_40, %dma_wait3A_60] : memref<2048x8192xf32, #tpu.memory_space<hbm>> -> memref<1x8192xf32, #tpu.memory_space<hbm>>
      %dma_wait3A_62 = tpu.memref_squeeze %dma_wait3A_61 : memref<1x8192xf32, #tpu.memory_space<hbm>> -> memref<8192xf32, #tpu.memory_space<hbm>>
      tpu.wait_dma2 semaphore(%arg11 : memref<!tpu.dma_semaphore, #tpu.memory_space<semaphore_mem>>) src(%dma_wait3A_62 : memref<8192xf32, #tpu.memory_space<hbm>>) dst(%arg5 : memref<8192xf32, #tpu.memory_space<vmem>>)
      %dma_wait3A_63 = arith.constant 0 : i32
      %dma_wait3A_64 = tpu.memref_slice %arg3[%add3A_40, %dma_wait3A_63] : memref<2048x8192xf32, #tpu.memory_space<hbm>> -> memref<1x8192xf32, #tpu.memory_space<hbm>>
      %dma_wait3A_65 = tpu.memref_squeeze %dma_wait3A_64 : memref<1x8192xf32, #tpu.memory_space<hbm>> -> memref<8192xf32, #tpu.memory_space<hbm>>
      %dma_wait3A_66 = arith.constant 0 : i32
      %dma_wait3A_67 = tpu.memref_slice %arg3[%add3A_40, %dma_wait3A_66] : memref<2048x8192xf32, #tpu.memory_space<hbm>> -> memref<1x8192xf32, #tpu.memory_space<hbm>>
      %dma_wait3A_68 = tpu.memref_squeeze %dma_wait3A_67 : memref<1x8192xf32, #tpu.memory_space<hbm>> -> memref<8192xf32, #tpu.memory_space<hbm>>
      tpu.wait_dma2 semaphore(%arg13 : memref<!tpu.dma_semaphore, #tpu.memory_space<semaphore_mem>>) src(%dma_wait3A_68 : memref<8192xf32, #tpu.memory_space<hbm>>) dst(%arg7 : memref<8192xf32, #tpu.memory_space<vmem>>)
      %gt3A = arith.constant 0 : i32
      %gt3A_69 = arith.cmpi sgt, %scan3A_35, %gt3A : i32
      %convert_element_type3A = arith.extui %gt3A_69 : i1 to i32
      %cond3A = arith.constant 0 : i32
      %cond3A_70 = arith.cmpi ne, %convert_element_type3A, %cond3A : i32
      scf.if %cond3A_70 {
        %sub3A_114 = arith.constant 2 : i32
        %sub3A_115 = arith.subi %add3A_40, %sub3A_114 : i32
        %dma_wait3A_116 = arith.constant 0 : i32
        %dma_wait3A_117 = tpu.memref_slice %arg4[%sub3A_115, %dma_wait3A_116] : memref<2048x8192xf32, #tpu.memory_space<hbm>> -> memref<1x8192xf32, #tpu.memory_space<hbm>>
        %dma_wait3A_118 = tpu.memref_squeeze %dma_wait3A_117 : memref<1x8192xf32, #tpu.memory_space<hbm>> -> memref<8192xf32, #tpu.memory_space<hbm>>
        %dma_wait3A_119 = arith.constant 0 : i32
        %dma_wait3A_120 = tpu.memref_slice %arg4[%sub3A_115, %dma_wait3A_119] : memref<2048x8192xf32, #tpu.memory_space<hbm>> -> memref<1x8192xf32, #tpu.memory_space<hbm>>
        %dma_wait3A_121 = tpu.memref_squeeze %dma_wait3A_120 : memref<1x8192xf32, #tpu.memory_space<hbm>> -> memref<8192xf32, #tpu.memory_space<hbm>>
        tpu.wait_dma2 semaphore(%arg15 : memref<!tpu.dma_semaphore, #tpu.memory_space<semaphore_mem>>) src(%arg9 : memref<8192xf32, #tpu.memory_space<vmem>>) dst(%dma_wait3A_121 : memref<8192xf32, #tpu.memory_space<hbm>>)
      } else {
      }
      %parallel_loop3A = arith.constant 0 : i32
      %parallel_loop3A_71 = arith.constant 8192 : i32
      %parallel_loop3A_72 = arith.constant 16 : i32
      scf.for %parallel_loop3A_114 = %parallel_loop3A to %parallel_loop3A_71 step %parallel_loop3A_72  : i32 {
        %parallel_loop3A_115 = arith.index_cast %parallel_loop3A_114 : i32 to index
        %parallel_loop3A_116 = tpu.vector_load %arg7[%parallel_loop3A_115] {strides = array<i32>} : memref<8192xf32, #tpu.memory_space<vmem>>, vector<16xf32>,
        %parallel_loop3A_117 = arith.constant 8.192000e+03 : f32
        %parallel_loop3A_118 = vector.broadcast %parallel_loop3A_117 : f32 to vector<16xf32>
        %parallel_loop3A_119 = arith.mulf %parallel_loop3A_116, %parallel_loop3A_118 : vector<16xf32>
        %parallel_loop3A_120 = arith.constant 8.191000e+03 : f32
        %parallel_loop3A_121 = vector.broadcast %parallel_loop3A_120 : f32 to vector<16xf32>
        %parallel_loop3A_122 = arith.minimumf %parallel_loop3A_119, %parallel_loop3A_121 : vector<16xf32>
        %parallel_loop3A_123 = arith.fptosi %parallel_loop3A_122 : vector<16xf32> to vector<16xi32>
        %parallel_loop3A_124 = arith.sitofp %parallel_loop3A_123 : vector<16xi32> to vector<16xf32>
        %parallel_loop3A_125 = arith.cmpf ogt, %parallel_loop3A_122, %parallel_loop3A_124 : vector<16xf32>
        %parallel_loop3A_126 = arith.constant 1 : i32
        %parallel_loop3A_127 = vector.broadcast %parallel_loop3A_126 : i32 to vector<16xi32>
        %parallel_loop3A_128 = arith.subi %parallel_loop3A_123, %parallel_loop3A_127 : vector<16xi32>
        %parallel_loop3A_129 = arith.select %parallel_loop3A_125, %parallel_loop3A_123, %parallel_loop3A_128 : vector<16xi1>, vector<16xi32>
        %parallel_loop3A_130 = arith.constant 0 : i32
        %parallel_loop3A_131 = vector.broadcast %parallel_loop3A_130 : i32 to vector<16xi32>
        %parallel_loop3A_132 = arith.maxsi %parallel_loop3A_129, %parallel_loop3A_131 : vector<16xi32>
        %parallel_loop3A_133 = tpu.vector_load_idx %arg5[%parallel_loop3A_132] : memref<8192xf32, #tpu.memory_space<vmem>>[vector<16xi32>], vector<16xf32>,
        %parallel_loop3A_134 = arith.constant 1 : i32
        %parallel_loop3A_135 = vector.broadcast %parallel_loop3A_134 : i32 to vector<16xi32>
        %parallel_loop3A_136 = arith.addi %parallel_loop3A_132, %parallel_loop3A_135 : vector<16xi32>
        %parallel_loop3A_137 = tpu.vector_load_idx %arg5[%parallel_loop3A_136] : memref<8192xf32, #tpu.memory_space<vmem>>[vector<16xi32>], vector<16xf32>,
        %parallel_loop3A_138 = arith.sitofp %parallel_loop3A_132 : vector<16xi32> to vector<16xf32>
        %parallel_loop3A_139 = arith.subf %parallel_loop3A_122, %parallel_loop3A_138 : vector<16xf32>
        %parallel_loop3A_140 = arith.subf %parallel_loop3A_137, %parallel_loop3A_133 : vector<16xf32>
        %parallel_loop3A_141 = arith.mulf %parallel_loop3A_139, %parallel_loop3A_140 : vector<16xf32>
        %parallel_loop3A_142 = arith.addf %parallel_loop3A_133, %parallel_loop3A_141 : vector<16xf32>
        %parallel_loop3A_143 = arith.constant 8.191000e+03 : f32
        %parallel_loop3A_144 = vector.broadcast %parallel_loop3A_143 : f32 to vector<16xf32>
        %parallel_loop3A_145 = arith.cmpf ogt, %parallel_loop3A_119, %parallel_loop3A_144 : vector<16xf32>
        %parallel_loop3A_146 = arith.constant 0.000000e+00 : f32
        %parallel_loop3A_147 = vector.broadcast %parallel_loop3A_146 : f32 to vector<16xf32>
        %parallel_loop3A_148 = arith.select %parallel_loop3A_145, %parallel_loop3A_147, %parallel_loop3A_142 : vector<16xi1>, vector<16xf32>
        %parallel_loop3A_149 = arith.index_cast %parallel_loop3A_114 : i32 to index
        %parallel_loop3A_150 = tpu.vector_load %arg9[%parallel_loop3A_149] {strides = array<i32>} : memref<8192xf32, #tpu.memory_space<vmem>>, vector<16xf32>,
        tpu.vector_store %arg9[%parallel_loop3A_149], %parallel_loop3A_148 {strides = array<i32>} : memref<8192xf32, #tpu.memory_space<vmem>>, vector<16xf32>,
      } {sc.loop_unroll_factor = 8 : i64, sc.parallel_access}
      %dma_start3A_73 = arith.constant 0 : i32
      %dma_start3A_74 = tpu.memref_slice %arg4[%add3A_40, %dma_start3A_73] : memref<2048x8192xf32, #tpu.memory_space<hbm>> -> memref<1x8192xf32, #tpu.memory_space<hbm>>
      %dma_start3A_75 = tpu.memref_squeeze %dma_start3A_74 : memref<1x8192xf32, #tpu.memory_space<hbm>> -> memref<8192xf32, #tpu.memory_space<hbm>>
      %dma_start3A_76 = arith.constant 0 : i32
      %dma_start3A_77 = tpu.memref_slice %arg4[%add3A_40, %dma_start3A_76] : memref<2048x8192xf32, #tpu.memory_space<hbm>> -> memref<1x8192xf32, #tpu.memory_space<hbm>>
      %dma_start3A_78 = tpu.memref_squeeze %dma_start3A_77 : memref<1x8192xf32, #tpu.memory_space<hbm>> -> memref<8192xf32, #tpu.memory_space<hbm>>
      tpu.enqueue_dma source(%arg9 : memref<8192xf32, #tpu.memory_space<vmem>>) target(%dma_start3A_78 : memref<8192xf32, #tpu.memory_space<hbm>>) target_semaphore(%arg15 : memref<!tpu.dma_semaphore, #tpu.memory_space<semaphore_mem>>)
      %mul3A_79 = arith.constant 2 : i32
      %mul3A_80 = arith.muli %scan3A_35, %mul3A_79 : i32
      %add3A_81 = arith.constant 1 : i32
      %add3A_82 = arith.addi %mul3A_80, %add3A_81 : i32
      %add3A_83 = arith.addi %mul3A_2, %add3A_82 : i32
      %lt3A = arith.constant 31 : i32
      %lt3A_84 = arith.cmpi slt, %scan3A_35, %lt3A : i32
      %convert_element_type3A_85 = arith.extui %lt3A_84 : i1 to i32
      %cond3A_86 = arith.constant 0 : i32
      %cond3A_87 = arith.cmpi ne, %convert_element_type3A_85, %cond3A_86 : i32
      scf.if %cond3A_87 {
        %add3A_114 = arith.constant 1 : i32
        %add3A_115 = arith.addi %add3A_83, %add3A_114 : i32
        %dma_start3A_116 = arith.constant 0 : i32
        %dma_start3A_117 = tpu.memref_slice %arg2[%add3A_115, %dma_start3A_116] : memref<2048x8192xf32, #tpu.memory_space<hbm>> -> memref<1x8192xf32, #tpu.memory_space<hbm>>
        %dma_start3A_118 = tpu.memref_squeeze %dma_start3A_117 : memref<1x8192xf32, #tpu.memory_space<hbm>> -> memref<8192xf32, #tpu.memory_space<hbm>>
        %dma_start3A_119 = arith.constant 0 : i32
        %dma_start3A_120 = tpu.memref_slice %arg2[%add3A_115, %dma_start3A_119] : memref<2048x8192xf32, #tpu.memory_space<hbm>> -> memref<1x8192xf32, #tpu.memory_space<hbm>>
        %dma_start3A_121 = tpu.memref_squeeze %dma_start3A_120 : memref<1x8192xf32, #tpu.memory_space<hbm>> -> memref<8192xf32, #tpu.memory_space<hbm>>
        tpu.enqueue_dma source(%dma_start3A_121 : memref<8192xf32, #tpu.memory_space<hbm>>) target(%arg5 : memref<8192xf32, #tpu.memory_space<vmem>>) target_semaphore(%arg11 : memref<!tpu.dma_semaphore, #tpu.memory_space<semaphore_mem>>)
        %add3A_122 = arith.constant 1 : i32
        %add3A_123 = arith.addi %add3A_83, %add3A_122 : i32
        %dma_start3A_124 = arith.constant 0 : i32
        %dma_start3A_125 = tpu.memref_slice %arg3[%add3A_123, %dma_start3A_124] : memref<2048x8192xf32, #tpu.memory_space<hbm>> -> memref<1x8192xf32, #tpu.memory_space<hbm>>
        %dma_start3A_126 = tpu.memref_squeeze %dma_start3A_125 : memref<1x8192xf32, #tpu.memory_space<hbm>> -> memref<8192xf32, #tpu.memory_space<hbm>>
        %dma_start3A_127 = arith.constant 0 : i32
        %dma_start3A_128 = tpu.memref_slice %arg3[%add3A_123, %dma_start3A_127] : memref<2048x8192xf32, #tpu.memory_space<hbm>> -> memref<1x8192xf32, #tpu.memory_space<hbm>>
        %dma_start3A_129 = tpu.memref_squeeze %dma_start3A_128 : memref<1x8192xf32, #tpu.memory_space<hbm>> -> memref<8192xf32, #tpu.memory_space<hbm>>
        tpu.enqueue_dma source(%dma_start3A_129 : memref<8192xf32, #tpu.memory_space<hbm>>) target(%arg7 : memref<8192xf32, #tpu.memory_space<vmem>>) target_semaphore(%arg13 : memref<!tpu.dma_semaphore, #tpu.memory_space<semaphore_mem>>)
      } else {
      }
      %dma_wait3A_88 = arith.constant 0 : i32
      %dma_wait3A_89 = tpu.memref_slice %arg2[%add3A_83, %dma_wait3A_88] : memref<2048x8192xf32, #tpu.memory_space<hbm>> -> memref<1x8192xf32, #tpu.memory_space<hbm>>
      %dma_wait3A_90 = tpu.memref_squeeze %dma_wait3A_89 : memref<1x8192xf32, #tpu.memory_space<hbm>> -> memref<8192xf32, #tpu.memory_space<hbm>>
      %dma_wait3A_91 = arith.constant 0 : i32
      %dma_wait3A_92 = tpu.memref_slice %arg2[%add3A_83, %dma_wait3A_91] : memref<2048x8192xf32, #tpu.memory_space<hbm>> -> memref<1x8192xf32, #tpu.memory_space<hbm>>
      %dma_wait3A_93 = tpu.memref_squeeze %dma_wait3A_92 : memref<1x8192xf32, #tpu.memory_space<hbm>> -> memref<8192xf32, #tpu.memory_space<hbm>>
      tpu.wait_dma2 semaphore(%arg12 : memref<!tpu.dma_semaphore, #tpu.memory_space<semaphore_mem>>) src(%dma_wait3A_93 : memref<8192xf32, #tpu.memory_space<hbm>>) dst(%arg6 : memref<8192xf32, #tpu.memory_space<vmem>>)
      %dma_wait3A_94 = arith.constant 0 : i32
      %dma_wait3A_95 = tpu.memref_slice %arg3[%add3A_83, %dma_wait3A_94] : memref<2048x8192xf32, #tpu.memory_space<hbm>> -> memref<1x8192xf32, #tpu.memory_space<hbm>>
      %dma_wait3A_96 = tpu.memref_squeeze %dma_wait3A_95 : memref<1x8192xf32, #tpu.memory_space<hbm>> -> memref<8192xf32, #tpu.memory_space<hbm>>
      %dma_wait3A_97 = arith.constant 0 : i32
      %dma_wait3A_98 = tpu.memref_slice %arg3[%add3A_83, %dma_wait3A_97] : memref<2048x8192xf32, #tpu.memory_space<hbm>> -> memref<1x8192xf32, #tpu.memory_space<hbm>>
      %dma_wait3A_99 = tpu.memref_squeeze %dma_wait3A_98 : memref<1x8192xf32, #tpu.memory_space<hbm>> -> memref<8192xf32, #tpu.memory_space<hbm>>
      tpu.wait_dma2 semaphore(%arg14 : memref<!tpu.dma_semaphore, #tpu.memory_space<semaphore_mem>>) src(%dma_wait3A_99 : memref<8192xf32, #tpu.memory_space<hbm>>) dst(%arg8 : memref<8192xf32, #tpu.memory_space<vmem>>)
      %gt3A_100 = arith.constant 0 : i32
      %gt3A_101 = arith.cmpi sgt, %scan3A_35, %gt3A_100 : i32
      %convert_element_type3A_102 = arith.extui %gt3A_101 : i1 to i32
      %cond3A_103 = arith.constant 0 : i32
      %cond3A_104 = arith.cmpi ne, %convert_element_type3A_102, %cond3A_103 : i32
      scf.if %cond3A_104 {
        %sub3A_114 = arith.constant 2 : i32
        %sub3A_115 = arith.subi %add3A_83, %sub3A_114 : i32
        %dma_wait3A_116 = arith.constant 0 : i32
        %dma_wait3A_117 = tpu.memref_slice %arg4[%sub3A_115, %dma_wait3A_116] : memref<2048x8192xf32, #tpu.memory_space<hbm>> -> memref<1x8192xf32, #tpu.memory_space<hbm>>
        %dma_wait3A_118 = tpu.memref_squeeze %dma_wait3A_117 : memref<1x8192xf32, #tpu.memory_space<hbm>> -> memref<8192xf32, #tpu.memory_space<hbm>>
        %dma_wait3A_119 = arith.constant 0 : i32
        %dma_wait3A_120 = tpu.memref_slice %arg4[%sub3A_115, %dma_wait3A_119] : memref<2048x8192xf32, #tpu.memory_space<hbm>> -> memref<1x8192xf32, #tpu.memory_space<hbm>>
        %dma_wait3A_121 = tpu.memref_squeeze %dma_wait3A_120 : memref<1x8192xf32, #tpu.memory_space<hbm>> -> memref<8192xf32, #tpu.memory_space<hbm>>
        tpu.wait_dma2 semaphore(%arg16 : memref<!tpu.dma_semaphore, #tpu.memory_space<semaphore_mem>>) src(%arg10 : memref<8192xf32, #tpu.memory_space<vmem>>) dst(%dma_wait3A_121 : memref<8192xf32, #tpu.memory_space<hbm>>)
      } else {
      }
      %parallel_loop3A_105 = arith.constant 0 : i32
      %parallel_loop3A_106 = arith.constant 8192 : i32
      %parallel_loop3A_107 = arith.constant 16 : i32
      scf.for %parallel_loop3A_114 = %parallel_loop3A_105 to %parallel_loop3A_106 step %parallel_loop3A_107  : i32 {
        %parallel_loop3A_115 = arith.index_cast %parallel_loop3A_114 : i32 to index
        %parallel_loop3A_116 = tpu.vector_load %arg8[%parallel_loop3A_115] {strides = array<i32>} : memref<8192xf32, #tpu.memory_space<vmem>>, vector<16xf32>,
        %parallel_loop3A_117 = arith.constant 8.192000e+03 : f32
        %parallel_loop3A_118 = vector.broadcast %parallel_loop3A_117 : f32 to vector<16xf32>
        %parallel_loop3A_119 = arith.mulf %parallel_loop3A_116, %parallel_loop3A_118 : vector<16xf32>
        %parallel_loop3A_120 = arith.constant 8.191000e+03 : f32
        %parallel_loop3A_121 = vector.broadcast %parallel_loop3A_120 : f32 to vector<16xf32>
        %parallel_loop3A_122 = arith.minimumf %parallel_loop3A_119, %parallel_loop3A_121 : vector<16xf32>
        %parallel_loop3A_123 = arith.fptosi %parallel_loop3A_122 : vector<16xf32> to vector<16xi32>
        %parallel_loop3A_124 = arith.sitofp %parallel_loop3A_123 : vector<16xi32> to vector<16xf32>
        %parallel_loop3A_125 = arith.cmpf ogt, %parallel_loop3A_122, %parallel_loop3A_124 : vector<16xf32>
        %parallel_loop3A_126 = arith.constant 1 : i32
        %parallel_loop3A_127 = vector.broadcast %parallel_loop3A_126 : i32 to vector<16xi32>
        %parallel_loop3A_128 = arith.subi %parallel_loop3A_123, %parallel_loop3A_127 : vector<16xi32>
        %parallel_loop3A_129 = arith.select %parallel_loop3A_125, %parallel_loop3A_123, %parallel_loop3A_128 : vector<16xi1>, vector<16xi32>
        %parallel_loop3A_130 = arith.constant 0 : i32
        %parallel_loop3A_131 = vector.broadcast %parallel_loop3A_130 : i32 to vector<16xi32>
        %parallel_loop3A_132 = arith.maxsi %parallel_loop3A_129, %parallel_loop3A_131 : vector<16xi32>
        %parallel_loop3A_133 = tpu.vector_load_idx %arg6[%parallel_loop3A_132] : memref<8192xf32, #tpu.memory_space<vmem>>[vector<16xi32>], vector<16xf32>,
        %parallel_loop3A_134 = arith.constant 1 : i32
        %parallel_loop3A_135 = vector.broadcast %parallel_loop3A_134 : i32 to vector<16xi32>
        %parallel_loop3A_136 = arith.addi %parallel_loop3A_132, %parallel_loop3A_135 : vector<16xi32>
        %parallel_loop3A_137 = tpu.vector_load_idx %arg6[%parallel_loop3A_136] : memref<8192xf32, #tpu.memory_space<vmem>>[vector<16xi32>], vector<16xf32>,
        %parallel_loop3A_138 = arith.sitofp %parallel_loop3A_132 : vector<16xi32> to vector<16xf32>
        %parallel_loop3A_139 = arith.subf %parallel_loop3A_122, %parallel_loop3A_138 : vector<16xf32>
        %parallel_loop3A_140 = arith.subf %parallel_loop3A_137, %parallel_loop3A_133 : vector<16xf32>
        %parallel_loop3A_141 = arith.mulf %parallel_loop3A_139, %parallel_loop3A_140 : vector<16xf32>
        %parallel_loop3A_142 = arith.addf %parallel_loop3A_133, %parallel_loop3A_141 : vector<16xf32>
        %parallel_loop3A_143 = arith.constant 8.191000e+03 : f32
        %parallel_loop3A_144 = vector.broadcast %parallel_loop3A_143 : f32 to vector<16xf32>
        %parallel_loop3A_145 = arith.cmpf ogt, %parallel_loop3A_119, %parallel_loop3A_144 : vector<16xf32>
        %parallel_loop3A_146 = arith.constant 0.000000e+00 : f32
        %parallel_loop3A_147 = vector.broadcast %parallel_loop3A_146 : f32 to vector<16xf32>
        %parallel_loop3A_148 = arith.select %parallel_loop3A_145, %parallel_loop3A_147, %parallel_loop3A_142 : vector<16xi1>, vector<16xf32>
        %parallel_loop3A_149 = arith.index_cast %parallel_loop3A_114 : i32 to index
        %parallel_loop3A_150 = tpu.vector_load %arg10[%parallel_loop3A_149] {strides = array<i32>} : memref<8192xf32, #tpu.memory_space<vmem>>, vector<16xf32>,
        tpu.vector_store %arg10[%parallel_loop3A_149], %parallel_loop3A_148 {strides = array<i32>} : memref<8192xf32, #tpu.memory_space<vmem>>, vector<16xf32>,
      } {sc.loop_unroll_factor = 8 : i64, sc.parallel_access}
      %dma_start3A_108 = arith.constant 0 : i32
      %dma_start3A_109 = tpu.memref_slice %arg4[%add3A_83, %dma_start3A_108] : memref<2048x8192xf32, #tpu.memory_space<hbm>> -> memref<1x8192xf32, #tpu.memory_space<hbm>>
      %dma_start3A_110 = tpu.memref_squeeze %dma_start3A_109 : memref<1x8192xf32, #tpu.memory_space<hbm>> -> memref<8192xf32, #tpu.memory_space<hbm>>
      %dma_start3A_111 = arith.constant 0 : i32
      %dma_start3A_112 = tpu.memref_slice %arg4[%add3A_83, %dma_start3A_111] : memref<2048x8192xf32, #tpu.memory_space<hbm>> -> memref<1x8192xf32, #tpu.memory_space<hbm>>
      %dma_start3A_113 = tpu.memref_squeeze %dma_start3A_112 : memref<1x8192xf32, #tpu.memory_space<hbm>> -> memref<8192xf32, #tpu.memory_space<hbm>>
      tpu.enqueue_dma source(%arg10 : memref<8192xf32, #tpu.memory_space<vmem>>) target(%dma_start3A_113 : memref<8192xf32, #tpu.memory_space<hbm>>) target_semaphore(%arg16 : memref<!tpu.dma_semaphore, #tpu.memory_space<semaphore_mem>>)
    }
    %scan3A_18 = arith.constant 32 : i32
    %add3A_19 = arith.constant 64 : i32
    %add3A_20 = arith.addi %mul3A_2, %add3A_19 : i32
    %sub3A = arith.constant 2 : i32
    %sub3A_21 = arith.subi %add3A_20, %sub3A : i32
    %dma_wait3A = arith.constant 0 : i32
    %dma_wait3A_22 = tpu.memref_slice %arg4[%sub3A_21, %dma_wait3A] : memref<2048x8192xf32, #tpu.memory_space<hbm>> -> memref<1x8192xf32, #tpu.memory_space<hbm>>
    %dma_wait3A_23 = tpu.memref_squeeze %dma_wait3A_22 : memref<1x8192xf32, #tpu.memory_space<hbm>> -> memref<8192xf32, #tpu.memory_space<hbm>>
    %dma_wait3A_24 = arith.constant 0 : i32
    %dma_wait3A_25 = tpu.memref_slice %arg4[%sub3A_21, %dma_wait3A_24] : memref<2048x8192xf32, #tpu.memory_space<hbm>> -> memref<1x8192xf32, #tpu.memory_space<hbm>>
    %dma_wait3A_26 = tpu.memref_squeeze %dma_wait3A_25 : memref<1x8192xf32, #tpu.memory_space<hbm>> -> memref<8192xf32, #tpu.memory_space<hbm>>
    tpu.wait_dma2 semaphore(%arg15 : memref<!tpu.dma_semaphore, #tpu.memory_space<semaphore_mem>>) src(%arg9 : memref<8192xf32, #tpu.memory_space<vmem>>) dst(%dma_wait3A_26 : memref<8192xf32, #tpu.memory_space<hbm>>)
    %sub3A_27 = arith.constant 1 : i32
    %sub3A_28 = arith.subi %add3A_20, %sub3A_27 : i32
    %dma_wait3A_29 = arith.constant 0 : i32
    %dma_wait3A_30 = tpu.memref_slice %arg4[%sub3A_28, %dma_wait3A_29] : memref<2048x8192xf32, #tpu.memory_space<hbm>> -> memref<1x8192xf32, #tpu.memory_space<hbm>>
    %dma_wait3A_31 = tpu.memref_squeeze %dma_wait3A_30 : memref<1x8192xf32, #tpu.memory_space<hbm>> -> memref<8192xf32, #tpu.memory_space<hbm>>
    %dma_wait3A_32 = arith.constant 0 : i32
    %dma_wait3A_33 = tpu.memref_slice %arg4[%sub3A_28, %dma_wait3A_32] : memref<2048x8192xf32, #tpu.memory_space<hbm>> -> memref<1x8192xf32, #tpu.memory_space<hbm>>
    %dma_wait3A_34 = tpu.memref_squeeze %dma_wait3A_33 : memref<1x8192xf32, #tpu.memory_space<hbm>> -> memref<8192xf32, #tpu.memory_space<hbm>>
    tpu.wait_dma2 semaphore(%arg16 : memref<!tpu.dma_semaphore, #tpu.memory_space<semaphore_mem>>) src(%arg10 : memref<8192xf32, #tpu.memory_space<vmem>>) dst(%dma_wait3A_34 : memref<8192xf32, #tpu.memory_space<hbm>>)
    return
  }
}

</mosaic_0001>

<sc_bundles>
// kernel: kernel.3.cloned.1.call-start
scs
__scs_entry_jumppad:
0x0: {  	(pc) =	sbr.rel $0x88, $3  }
0x1: {  	(tag) =	ssettag $0x0;
	lr =	simm.s32 $0x1  }
0x2: {  	[smem:$0x3F9F] =	sst lr;
	_ =	strace $0xD0000000  }
0x3: {  	_ = 	snop  }
0x4: {  	_ = 	snop  }
0x5: {  	_ = 	snop  }
0x6: {  	_ = 	snop  }
0x7: {  	_ = 	snop  }
__scs_overlays_trampoline_lowered:
0x8: {  	[smem:$0x3FAE] =	sst s0  }
0x9: {  	[smem:$0x3FAF] =	sst s1  }
0xa: {  	[smem:$0x3FB0] =	sst s2  }
0xb: {  	[smem:$0x3FB1] =	sst s3  }
0xc: {  	[smem:$0x3FB2] =	sst s4  }
0xd: {  	[smem:$0x3FB3] =	sst s5  }
0xe: {  	[smem:$0x3FB4] =	sst s6  }
0xf: {  	[smem:$0x3FB5] =	sst s7  }
0x10: {  	[smem:$0x3FB6] =	sst s8  }
0x11: {  	[smem:$0x3FB7] =	sst s9;
	s0 =	simm.s32 @!p0 $0x0  }
0x12: {  	s1 =	sld [smem:$0x3F9D];
	s0 =	simm.s32 @p0 $0x1  }
0x13: {  	[smem:$0x3FB8] =	sst s0;
	s0 =	simm.s32 @!p1 $0x0  }
0x14: {  	s2 =	sld [smem:$0x3F9C];
	s0 =	simm.s32 @p1 $0x1  }
0x15: {  	[smem:$0x3FB9] =	sst s0;
	s0 =	simm.s32 @!p2 $0x0  }
0x16: {  	s3 =	sld [smem:$0x3FDB];
	s0 =	simm.s32 @p2 $0x1  }
0x17: {  	s4 =	simm.s32 $0x1BF5;
	[smem:$0x3FBB] =	sst s0  }
0x18: {  	s0 =	sld [smem:$0x3F9E];
	_ =	swait.ge [sflag:s4], $0x0  }
0x19: {  	s7 =	sld [smem:$0x3F9F]  }
0x1a: {  	s8 =	sadd.s32 $0xFFFFE003, lr  }
0x1b: {  	s9 =	sadd.s32 $0xFFFFFEF7, lr;
	s5 =	simm.s32 $0xFFFFFFFF;
	p2 =	slt.u32 s8, $0xFFFFF086  }
0x1c: {  	p1 =	slt.u32 s9, $0xF7A;
	s5 =	simm.s32 @!p2 $0x0  }
0x1d: {  	s5 =	simm.s32 @p1 $0x1;
	p0 =	seq.s32 s7, s2  }
0x1e: {  	s7 =	smul.u32 @!p0 $0xF7A, s2;
	p2 =	seq.s32 @!p0 s5, $0x0  }
0x1f: {  	s9 =	smul.u32 $0xF7A, s1;
	s8 =	simm.s32 @!p0 $0x1BF5;
	p2 =	por !p2, p0  }
0x20: {  	[sflag:s8] =	ssyncset.s32 @!p0 $0xFFFFF086;
	s6 =	sadd.s32 @!p0 s3, s7;
	s7 =	simm.s32 @!p0 $0x108  }
0x21: {  	s3 =	sadd.s32 s3, s9;
	s6 =	sadd.s32 @!p0 $0x88, s6;
	s7 =	simm.s32 @p2 $0x1082  }
0x22: {  	[simem:s7], [sflag:s8] =	dma.local @!p0 [hbm:s6], $0xF7A  }
0x23: {  	s9 =	sor.u32 $0xD0000000, s2;
	s6 =	simm.s32 $0x108;
	_ =	swait.ge @!p0 [sflag:s8], $0x0  }
0x24: {  	s3 =	sadd.s32 $0x88, s3;
	s6 =	simm.s32 @!p1 $0x1082;
	[sflag:s4] =	ssyncset.s32 $0xFFFFF086  }
0x25: {  	[simem:s6], [sflag:s4] =	dma.local [hbm:s3], $0xF7A  }
0x26: {  	[smem:$0x3F9F] =	sst s1;
	(tag) =	ssettag s2;
	_ =	strace s9  }
0x27: {  	s1 =	sld [smem:$0x3FAF]  }
0x28: {  	s2 =	sld [smem:$0x3FB0]  }
0x29: {  	s4 =	sld [smem:$0x3FB2]  }
0x2a: {  	p0 =	seq.s32 s5, $0x0;
	s5 =	sld [smem:$0x3FB3]  }
0x2b: {  	s6 =	sld [smem:$0x3FB4]  }
0x2c: {  	s7 =	sld [smem:$0x3FB5]  }
0x2d: {  	s3 =	simm.s32 $0x108;
	s8 =	sld [smem:$0x3FB6]  }
0x2e: {  	s3 =	simm.s32 @!p0 $0x1082;
	s9 =	sld [smem:$0x3FB7]  }
0x2f: {  	lr =	sadd.s32 s0, s3;
	s0 =	sld [smem:$0x3FAE]  }
0x30: {  	s3 =	sld [smem:$0x3FB1]  }
0x31: {  	[smem:$0x3FBA] =	sst s10  }
0x32: {  	s10 =	sld [smem:$0x3FB8];
	_ =	sdelay $0x3  }
0x33: {  	p0 =	seq.s32 s10, $0x1;
	s10 =	sld [smem:$0x3FBA];
	_ =	sdelay $0x3  }
0x34: {  	[smem:$0x3FBA] =	sst s10  }
0x35: {  	s10 =	sld [smem:$0x3FB9];
	_ =	sdelay $0x3  }
0x36: {  	p1 =	seq.s32 s10, $0x1;
	s10 =	sld [smem:$0x3FBA];
	_ =	sdelay $0x3  }
0x37: {  	[smem:$0x3FBA] =	sst s10  }
0x38: {  	s10 =	sld [smem:$0x3FBB]  }
0x39: {  	_ = 	snop;
	(pc) =	sbr.ind lr, $3  }
0x3a: {  	_ = 	snop  }
0x3b: {  	_ = 	snop  }
0x3c: {  	p2 =	seq.s32 s10, $0x1;
	s10 =	sld [smem:$0x3FBA]  }
0x3d: {  	_ =	shalt  }
0x3e: {  	_ =	shalt  }
0x3f: {  	_ =	shalt  }
0x40: {  	_ =	shalt  }
0x41: {  	_ =	shalt  }
0x42: {  	_ =	shalt  }
0x43: {  	_ =	shalt  }
0x44: {  	_ =	shalt  }
0x45: {  	_ =	shalt  }
0x46: {  	_ =	shalt  }
0x47: {  	_ =	shalt  }
0x48: {  	_ =	shalt  }
0x49: {  	_ =	shalt  }
0x4a: {  	_ =	shalt  }
0x4b: {  	_ =	shalt  }
0x4c: {  	_ =	shalt  }
0x4d: {  	_ =	shalt  }
0x4e: {  	_ =	shalt  }
0x4f: {  	_ =	shalt  }
0x50: {  	_ =	shalt  }
0x51: {  	_ =	shalt  }
0x52: {  	_ =	shalt  }
0x53: {  	_ =	shalt  }
0x54: {  	_ =	shalt  }
0x55: {  	_ =	shalt  }
0x56: {  	_ =	shalt  }
0x57: {  	_ =	shalt  }
0x58: {  	_ =	shalt  }
0x59: {  	_ =	shalt  }
0x5a: {  	_ =	shalt  }
0x5b: {  	_ =	shalt  }
0x5c: {  	_ =	shalt  }
0x5d: {  	_ =	shalt  }
0x5e: {  	_ =	shalt  }
0x5f: {  	_ =	shalt  }
0x60: {  	_ =	shalt  }
0x61: {  	_ =	shalt  }
0x62: {  	_ =	shalt  }
0x63: {  	_ =	shalt  }
0x64: {  	_ =	shalt  }
0x65: {  	_ =	shalt  }
0x66: {  	_ =	shalt  }
0x67: {  	_ =	shalt  }
0x68: {  	_ =	shalt  }
0x69: {  	_ =	shalt  }
0x6a: {  	_ =	shalt  }
0x6b: {  	_ =	shalt  }
0x6c: {  	_ =	shalt  }
0x6d: {  	_ =	shalt  }
0x6e: {  	_ =	shalt  }
0x6f: {  	_ =	shalt  }
0x70: {  	_ =	shalt  }
0x71: {  	_ =	shalt  }
0x72: {  	_ =	shalt  }
0x73: {  	_ =	shalt  }
0x74: {  	_ =	shalt  }
0x75: {  	_ =	shalt  }
0x76: {  	_ =	shalt  }
0x77: {  	_ =	shalt  }
0x78: {  	_ =	shalt  }
0x79: {  	_ =	shalt  }
0x7a: {  	_ =	shalt  }
0x7b: {  	_ =	shalt  }
0x7c: {  	_ =	shalt  }
0x7d: {  	_ =	shalt  }
0x7e: {  	_ =	shalt  }
0x7f: {  	_ =	shalt  }
0x80: {  	_ =	shalt  }
0x81: {  	_ =	shalt  }
0x82: {  	_ =	shalt  }
0x83: {  	_ =	shalt  }
0x84: {  	_ =	shalt  }
0x85: {  	_ =	shalt  }
0x86: {  	_ =	shalt  }
0x87: {  	_ =	shalt  }
.Lfunc_end0:
.L_simem_size_0:
called_computation_lowered:
.L_overlay_start_0:
0x88: {  	s2 =	sld [smem:$0x3FD9]  }
0x89: {  	s3 =	sld [smem:$0x3FFE];
	_ =	sdelay $0x1  }
0x8a: {  	s1 =	srdreg.scid  }
0x8b: {  	s0 =	sand.u32 $0x1, s1  }
0x8c: {  	s18 =	sshll.u32 s0, $0xA;
	s2 =	sadd.s32 s3, s2  }
0x8d: {  	s2 =	sadd.s32 s2, s18  }
0x8e: {  	[smem:$0x3FC6] =	sst s2  }
0x8f: {  	_ = 	snop  }
0x90: {  	s2 =	sld [smem:$0x3FC9]  }
0x91: {  	s19 =	sld [smem:$0x3FC8]  }
0x92: {  	s4 =	sld [smem:$0x3FD0];
	(tm) =	ssettm $0x1  }
0x93: {  	s5 =	sld [smem:$0x3FFB];
	_ =	sdelay $0x3  }
0x94: {  	_ =	strace s5  }
0x95: {  	s5 =	sld [smem:$0x3FFC];
	_ =	sdelay $0x3  }
0x96: {  	_ =	strace s5  }
0x97: {  	s5 =	sld [smem:$0x3FFD];
	_ =	sdelay $0x3  }
0x98: {  	_ =	strace s5  }
0x99: {  	_ =	strace $0x8FFFFFFF  }
0x9a: {  	s20 =	sld [smem:$0x3FDB];
	_ =	sdelay $0x1  }
0x9b: {  	s6 =	simm.s32 $_scs_section_size  }
0x9c: {  	s7 =	simm.s32 $_size__tile_overlayer_lowered;
	s8 =	simm.s32 $_tile_overlayer_lowered  }
0x9d: {  	s23 =	simm.s32 $0x1BFF;
	s22 =	sshll.u32 s8, $0x1;
	s5 =	sadd.s32 s6, s20  }
0x9e: {  	s9 =	simm.s32 $0x0;
	s21 =	sshll.u32 s7, $0x1;
	s7 =	sadd.s32 s22, s5  }
0x9f: {  	[timem:s9], [sflag:s23] =	dma.local [hbm:s7], s21  }
0xa0: {  	_ =	swait.ge [sflag:s23], s21  }
0xa1: {  	s6 =	ssub.s32 $0x0, s21;
	[sflag:s23] =	ssyncset.done $0x0  }
0xa2: {  	[sflag:s23] =	ssyncadd.s32 s6;
	_ =	sdelay $0x1  }
0xa3: {  	s24 =	simm.s32 $0x1B8B  }
0xa4: {  	_ =	swait.ge [sflag:s24], $0x1  }
0xa5: {  	[sflag:s24] =	ssyncset.done $0x0  }
0xa6: {  	s25 =	simm.s32 $0x1B8E;
	[sflag:s24] =	ssyncadd.s32 $0xFFFFFFFF  }
0xa7: {  	s26 =	simm.s32 $execute0_lowered;
	[smem:$0x3FD2] =	sst s25  }
0xa8: {  	s6 =	sshll.u32 s26, $0x1;
	_ =	strace $0x80000046;
	[dreg:$0x1] =	wrdreg $0xFFFFFFFF  }
0xa9: {  	s28 =	simm.s32 $_size_execute0_lowered;
	s5 =	sadd.s32 s5, s6;
	[dreg:$0x0] =	wrdreg $0x0  }
0xaa: {  	s6 =	sshll.u32 s28, $0x1;
	[dreg:$0x2] =	wrdreg s5  }
0xab: {  	[dreg:$0x3] =	wrdreg s6  }
0xac: {  	[dreg:$0x4] =	wrdreg $0xC0  }
0xad: {  	_ =	task [dreg:s9], $0x5FFFF  }
0xae: {  	[dreg:$0x1] =	wrdreg $0xFFFFFFFF  }
0xaf: {  	[dreg:$0x0] =	wrdreg $0x60  }
0xb0: {  	[dreg:$0x2] =	wrdreg s2  }
0xb1: {  	[dreg:$0x3] =	wrdreg s19  }
0xb2: {  	[dreg:$0x4] =	wrdreg s4  }
0xb3: {  	[dreg:$0x5] =	wrdreg $0x9  }
0xb4: {  	_ =	task.clear_ibuf [dreg:s9], $0x6FFFF;
	_ =	strace $0x90000046  }
0xb5: {  	s29 =	simm.s32 $0x9;
	_ =	strace $0x80000048  }
0xb6: {  	_ =	swait.ge [sflag:s29], $0x1  }
0xb7: {  	[sflag:s29] =	ssyncadd.s32 $0xFFFFFFFF  }
0xb8: {  	_ =	strace $0x90000048  }
0xb9: {  	_ =	sfence  }
0xba: {  	s30 =	sld [smem:$0x0];
	_ =	sdelay $0x2  }
0xbb: {  	s31 =	sshll.u32 s1, $0xD;
	s1 =	sshrl.u32 s1, $0x2  }
0xbc: {  	s3 =	sand.u32 $0x4000, s31;
	s1 =	sadd.s32 s1, s30  }
0xbd: {  	s0 =	sor.u32 s3, s0;
	s1 =	sshll.u32 s1, $0x11  }
0xbe: {  	s0 =	sor.u32 s1, s0  }
0xbf: {  	s0 =	sadd.s32 $0x8F2B, s0  }
0xc0: {  	[sflag:s0] =	ssyncadd.remote.s32 $0x1  }
0xc1: {  	_ =	sfence.sel $0xFFFF  }
0xc2: {  	[dreg:$0x0] =	wrdreg $0xFFFFFFFF;
	(pc) =	sbr.abs _section_cstart, $3  }
0xc3: {  	[dreg:$0x1] =	wrdreg $0xFFFFFFFF  }
0xc4: {  	_ =	task.clear_ibuf [dreg:s9], $0x2FFFF;
	_ =	strace $0x9FFFFFFF  }
0xc5: {  	(tm) =	ssettm $0x7FFFFFFF  }
tec
execute0_lowered:
.L_overlay_start_1:
0x0: {  	(tag) =	ssettag $0x1  }
0x1: {  	s1 =	rddreg [dreg:$0x0]  }
0x2: {  	s3 =	rddreg [dreg:$0x1]  }
0x3: {  	s4 =	rddreg [dreg:$0x2]  }
0x4: {  	s0 =	srdreg.scid;
	s2 =	stileid.u32;
	s5 =	simm.s32 $0x0  }
0x5: {  	s10 =	simm.s32 $0x80;
	s11 =	simm.s32 $0x400;
	s12 =	simm.s32 $0x4000  }
0x6: {  	s13 =	simm.s32 $0x2000;
	s14 =	simm.s32 $0x6000;
	s15 =	simm.s32 $0x1  }
0x7: {  	s16 =	simm.s32 $0x3;
	s17 =	simm.s32 $0x8000;
	s18 =	simm.s32 $0x2  }
0x8: {  	s19 =	simm.s32 $0x4;
	s20 =	simm.s32 $0xA000;
	s21 =	simm.s32 $0x5  }
0x9: {  	s22 =	simm.s32 $0x6;
	s23 =	simm.s32 $0x0;
	s0 =	sand.u32 $0x1, s0  }
0xa: {  	s6 =	sshll.u32 s2, $0x7;
	s7 =	sshll.u32 s0, $0x6;
	s0 =	ssub.s32 $0x2, s0  }
0xb: {  	[smem:$0x7FF] =	sst s5;
	s6 =	sor.u32 s7, s6;
	s31 =	sshrl.u32 s0, $0x1  }
0xc: {  	_ =	strace $0x80000047;
	s8 =	sshll.u32 s6, $0xA;
	s0 =	ssub.s32 s0, s31  }
0xd: {  	v0 =	vimm.s32 $0x0;
	s7 =	sadd.s32 s1, s8;
	s8 =	sadd.s32 s3, s8;
	s9 =	smax.u32 s0, $0x1  }
.LBB2_1:
0xe: {  	[tilespmem:s5], [sflag:$0x1] =	stream.strided.gather [hbm4b:s7+s10], $0x2000, s11, s10, $0x38;
	[tilespmem:$0xC000] =	vst v63  }
0xf: {  	s24 =	simm.s32 $0x0  }
0x10: {  	[tilespmem:s12], [sflag:$0x3] =	stream.strided.gather [hbm4b:s8+s10], $0x2000, s11, s10, $0x38;
	[tilespmem:$0xC000] =	vst v63  }
.LBB2_2:
0x11: {  	s25 =	sshll.u32 s24, $0x1  }
0x12: {  	s0 =	sadd.s32 s6, s25  }
0x13: {  	s28 =	sshll.u32 s24, $0x5;
	s0 =	sshll.u32 s0, $0xA  }
0x14: {  	s28 =	sand.u32 $0x60, s28;
	s26 =	sand.u32 $0x1FE000, s0  }
0x15: {  	s0 =	sor.u32 s28, s26  }
0x16: {  	s0 =	sor.u32 $0x10, s0  }
0x17: {  	s29 =	sadd.s32 s1, s0  }
0x18: {  	[tilespmem:s13], [sflag:$0x2] =	stream.strided.gather [hbm4b:s29+s10], $0x2000, s11, s10, $0x38;
	[tilespmem:$0xC000] =	vst v63  }
0x19: {  	s0 =	sadd.s32 s3, s0  }
0x1a: {  	[tilespmem:s14], [sflag:$0x4] =	stream.strided.gather [hbm4b:s0+s10], $0x2000, s11, s10, $0x38;
	[tilespmem:$0xC000] =	vst v63  }
0x1b: {  	_ =	swait.ge [sflag:s15], $0x2000  }
0x1c: {  	[sflag:s15] =	ssyncset.done $0x0  }
0x1d: {  	[sflag:s15] =	ssyncadd.s32 $0xFFFFE000  }
0x1e: {  	_ =	swait.ge [sflag:s16], $0x2000  }
0x1f: {  	p0 =	seq.s32 s24, $0x0;
	[sflag:s16] =	ssyncset.done $0x0  }
0x20: {  	s0 =	simm.s32 @!p0 $0x5;
	[sflag:s16] =	ssyncadd.s32 $0xFFFFE000  }
0x21: {  	_ =	swait.ge @!p0 [sflag:s0], $0x2000  }
0x22: {  	[sflag:s0] =	ssyncset.done @!p0 $0x0  }
0x23: {  	[sflag:s0] =	ssyncadd.s32 @!p0 $0xFFFFE000;
	s0 =	simm.s32 $0x4040  }
0x24: {  	v1 =	vld [tilespmem:s0+$0xFFFFFFD0]  }
0x25: {  	v2 =	vld [tilespmem:s0+$0x30]  }
0x26: {  	v4 =	vld [tilespmem:s0+$0xFFFFFFC0]  }
0x27: {  	v6 =	vld [tilespmem:s0+$0xFFFFFFF0];
	_ =	sdelay $0x2  }
0x28: {  	v3 =	vmul.f32 $8.192000000e+03, v1  }
0x29: {  	v5 =	vmul.f32 $8.192000000e+03, v4;
	v4 =	vmul.f32 $8.192000000e+03, v2  }
0x2a: {  	v1 =	vld [tilespmem:s0+$0xFFFFFFE0];
	v12 =	vmul.f32 $8.192000000e+03, v6  }
0x2b: {  	v6 =	vld [tilespmem:s0+$0x20];
	v14 =	vmin.f32 v3, $8.191000000e+03;
	v7 =	vmin.f32 v5, $8.191000000e+03;
	v13 =	vmin.f32 v4, $8.191000000e+03  }
0x2c: {  	v17 =	vmin.f32 v12, $8.191000000e+03;
	v8 =	vtrunc.f32 v7;
	v10 =	vtrunc.f32 v14  }
0x2d: {  	v11 =	vtrunc.f32 v17;
	v18 =	vtrunc.f32 v13  }
0x2e: {  	vm0 =	vgt.f32 v7, v8;
	vm1 =	vgt.f32 v17, v11;
	v8 =	vcvt.f32.s32 v8  }
0x2f: {  	v21 =	vcvt.f32.s32 v10;
	v2 =	vmul.f32 $8.192000000e+03, v1;
	vm0 =	vmneg vm0  }
0x30: {  	vm1 =	vmneg vm1;
	v6 =	vmul.f32 $8.192000000e+03, v6;
	v1 =	vsel vm0, $0xFFFFFFFF, v0  }
0x31: {  	v15 =	vsel vm1, $0xFFFFFFFF, v0;
	vm1 =	vgt.f32 v13, v18;
	v9 =	vmin.f32 v2, $8.191000000e+03  }
0x32: {  	v1 =	vadd.s32 v8, v1;
	v8 =	vcvt.f32.s32 v11;
	vm1 =	vmneg vm1  }
0x33: {  	v16 =	vtrunc.f32 v9;
	vm2 =	vgt.s32 v1, $0x0;
	v20 =	vsel vm1, $0xFFFFFFFF, v0  }
0x34: {  	v11 =	vcvt.f32.s32 v16;
	vm0 =	vgt.f32 v9, v16;
	v16 =	vld [tilespmem:s0+$0x10];
	v19 =	vadd.s32 v8, v15  }
0x35: {  	v8 =	vcvt.f32.s32 v18;
	v18 =	vnsel vm2, $0x0, v1;
	vm0 =	vmneg vm0  }
0x36: {  	v23 =	vadd.s32 $0x1, v18;
	v15 =	vsel vm0, $0xFFFFFFFF, v0;
	vm0 =	vgt.f32 v14, v10  }
0x37: {  	v20 =	vadd.s32 v8, v20;
	v11 =	vadd.s32 v11, v15;
	v15 =	vld [tilespmem:s0+$0x0];
	vm0 =	vmneg vm0  }
0x38: {  	v8 =	vmin.f32 v6, $8.191000000e+03;
	vm1 =	vgt.s32 v11, $0x0;
	v22 =	vsel vm0, $0xFFFFFFFF, v0  }
0x39: {  	vm0 =	vgt.s32 v19, $0x0;
	v1 =	vmul.f32 $8.192000000e+03, v16;
	v16 =	vnsel vm1, $0x0, v11  }
0x3a: {  	v26 =	vadd.s32 v21, v22;
	v22 =	vtrunc.f32 v8;
	vm1 =	vgt.s32 v20, $0x0  }
0x3b: {  	v24 =	vadd.s32 $0x1, v16;
	vm2 =	vgt.f32 v8, v22;
	v32 =	vnsel vm1, $0x0, v20  }
0x3c: {  	v21 =	vld.idx.msk [tilespmem:v18+s5+$0x0], $0xffff;
	v20 =	vcvt.s32.f32 v18;
	vm3 =	vgt.s32 v26, $0x0;
	v10 =	vmul.f32 $8.192000000e+03, v15  }
0x3d: {  	v18 =	vnsel vm0, $0x0, v19;
	v23 =	vld.idx.msk [tilespmem:v23+s5+$0x0], $0xffff;
	v11 =	vmin.f32 v1, $8.191000000e+03;
	vm1 =	vmneg vm2  }
0x3e: {  	v33 =	vnsel vm3, $0x0, v26;
	v34 =	vcvt.s32.f32 v18;
	v15 =	vmin.f32 v10, $8.191000000e+03  }
0x3f: {  	v31 =	vadd.s32 $0x1, v32;
	v25 =	vsub.f32 v7, v20;
	v27 =	vtrunc.f32 v15  }
0x40: {  	v20 =	vadd.s32 $0x1, v18;
	v29 =	vadd.s32 $0x1, v33;
	vm0 =	vgt.f32 v15, v27  }
0x41: {  	v35 =	vcvt.s32.f32 v33;
	v7 =	vld.idx.msk [tilespmem:v16+s5+$0x0], $0xffff;
	v19 =	vcvt.f32.s32 v27;
	vm0 =	vmneg vm0  }
0x42: {  	v24 =	vld.idx.msk [tilespmem:v24+s5+$0x0], $0xffff;
	v30 =	vsub.f32 v23, v21;
	v27 =	vcvt.s32.f32 v32;
	v26 =	vsel vm0, $0xFFFFFFFF, v0  }
0x43: {  	vm0 =	vgt.f32 v12, $8.191000000e+03;
	v12 =	vtrunc.f32 v11;
	v26 =	vadd.s32 v19, v26  }
0x44: {  	v23 =	vld.idx.msk [tilespmem:v32+s5+$0x0], $0xffff;
	v28 =	vcvt.f32.s32 v12;
	v19 =	vsub.f32 v13, v27;
	vm2 =	vgt.s32 v26, $0x0  }
0x45: {  	v13 =	vld.idx.msk [tilespmem:v18+s5+$0x0], $0xffff;
	v18 =	vsub.f32 v17, v34;
	v27 =	vnsel vm2, $0x0, v26;
	vm2 =	vgt.f32 v11, v12  }
0x46: {  	s30 =	simm.s32 $0x8040;
	v20 =	vld.idx.msk [tilespmem:v20+s5+$0x0], $0xffff;
	v17 =	vsub.f32 v14, v35;
	v14 =	vsel vm1, $0xFFFFFFFF, v0;
	vm2 =	vmneg vm2  }
0x47: {  	s31 =	simm.s32 $0x0;
	s29 =	simm.s32 $0x8040;
	s0 =	simm.s32 $0x40C0;
	v12 =	vsub.f32 v24, v7;
	v24 =	vld.idx.msk [tilespmem:v33+s5+$0x0], $0xffff;
	v26 =	vadd.s32 $0x1, v27;
	v32 =	vsel vm2, $0xFFFFFFFF, v0  }
.LBB2_3:
0x48: {  	s31 =	sadd.s32 $0x80, s31;
	v25 =	vmul.f32 v25, v30;
	v16 =	vcvt.s32.f32 v16;
	vm1 =	vgt.f32 v6, $8.191000000e+03;
	v6 =	vld.idx.msk [tilespmem:v31+s5+$0x0], $0xffff;
	s30 =	sadd.s32 $0x80, s30  }
0x49: {  	vm5 =	vgt.f32 v5, $8.191000000e+03;
	vm3 =	vgt.f32 v3, $8.191000000e+03;
	vm4 =	vgt.f32 v4, $8.191000000e+03;
	p1 =	slt.u32 s31, $0x1F80;
	v5 =	vld.idx.msk [tilespmem:v29+s5+$0x0], $0xffff  }
0x4a: {  	vm2 =	vgt.f32 v2, $8.191000000e+03;
	v3 =	vadd.f32 v25, v21;
	v16 =	vsub.f32 v9, v16;
	v9 =	vld.idx.msk [tilespmem:v27+s5+$0x0], $0xffff  }
0x4b: {  	v4 =	vsub.f32 v20, v13;
	v20 =	vadd.s32 v28, v32;
	v21 =	vcvt.f32.s32 v22;
	v2 =	vld [tilespmem:s0+$0xFFFFFFD0]  }
0x4c: {  	v25 =	vcvt.s32.f32 v27;
	v22 =	vld [tilespmem:s0+$0x30];
	v3 =	vsel vm5, $0x0, v3;
	vm5 =	vgt.s32 v20, $0x0  }
0x4d: {  	v28 =	vmul.f32 v18, v4;
	v4 =	vadd.s32 v21, v14;
	v27 =	vld [tilespmem:s0+$0xFFFFFFC0];
	[tilespmem:s29+$0xFFFFFFC0] =	vst v3;
	v18 =	vnsel vm5, $0x0, v20  }
0x4e: {  	v15 =	vsub.f32 v15, v25;
	v20 =	vld [tilespmem:s0+$0xFFFFFFF0];
	v21 =	vadd.s32 $0x1, v18;
	v14 =	vcvt.s32.f32 v18  }
0x4f: {  	vm5 =	vgt.s32 v4, $0x0;
	v6 =	vsub.f32 v6, v23;
	v25 =	vsub.f32 v5, v24;
	v26 =	vld.idx.msk [tilespmem:v26+s5+$0x0], $0xffff  }
0x50: {  	v3 =	vmul.f32 $8.192000000e+03, v2;
	v29 =	vld [tilespmem:s0+$0x20];
	v11 =	vsub.f32 v11, v14;
	v2 =	vnsel vm5, $0x0, v4  }
0x51: {  	v30 =	vld [tilespmem:s0+$0xFFFFFFE0];
	v4 =	vmul.f32 $8.192000000e+03, v22;
	v22 =	vadd.s32 $0x1, v2;
	v31 =	vcvt.s32.f32 v2  }
0x52: {  	v25 =	vmul.f32 v17, v25;
	v5 =	vmul.f32 $8.192000000e+03, v27;
	v14 =	vmin.f32 v3, $8.191000000e+03;
	v27 =	vld.idx.msk [tilespmem:v18+s5+$0x0], $0xffff  }
0x53: {  	v6 =	vmul.f32 v19, v6;
	v20 =	vmul.f32 $8.192000000e+03, v20;
	v18 =	vmin.f32 v4, $8.191000000e+03;
	v21 =	vld.idx.msk [tilespmem:v21+s5+$0x0], $0xffff  }
0x54: {  	vm5 =	vgt.f32 v10, $8.191000000e+03;
	v32 =	vtrunc.f32 v14;
	v19 =	vmin.f32 v5, $8.191000000e+03  }
0x55: {  	v10 =	vadd.f32 v25, v24;
	v24 =	vsub.f32 v26, v9;
	v17 =	vmin.f32 v20, $8.191000000e+03  }
0x56: {  	v6 =	vadd.f32 v6, v23;
	v25 =	vtrunc.f32 v19;
	v26 =	vtrunc.f32 v17;
	v33 =	vld.idx.msk [tilespmem:v2+s5+$0x0], $0xffff  }
0x57: {  	vm6 =	vgt.f32 v19, v25;
	v2 =	vmul.f32 $8.192000000e+03, v30;
	v15 =	vmul.f32 v15, v24;
	v22 =	vld.idx.msk [tilespmem:v22+s5+$0x0], $0xffff  }
0x58: {  	v6 =	vsel vm4, $0x0, v6;
	vm6 =	vmneg vm6;
	vm7 =	vgt.f32 v17, v26  }
0x59: {  	vm4 =	vmneg vm7;
	v9 =	vadd.f32 v15, v9;
	v15 =	vsub.f32 v21, v27;
	[tilespmem:s29+$0x30] =	vst v6  }
0x5a: {  	v21 =	vsel vm6, $0xFFFFFFFF, v0;
	v23 =	vsel vm4, $0xFFFFFFFF, v0;
	v6 =	vmul.f32 $8.192000000e+03, v29  }
0x5b: {  	v10 =	vsel vm3, $0x0, v10;
	v24 =	vsel vm5, $0x0, v9;
	v11 =	vmul.f32 v11, v15  }
0x5c: {  	v8 =	vsub.f32 v8, v31;
	v15 =	vcvt.f32.s32 v25;
	v9 =	vmin.f32 v2, $8.191000000e+03;
	[tilespmem:s29+$0x0] =	vst v24  }
0x5d: {  	v25 =	vtrunc.f32 v18;
	v24 =	vtrunc.f32 v9;
	[tilespmem:s29+$0xFFFFFFD0] =	vst v10;
	v10 =	vadd.f32 v11, v27  }
0x5e: {  	v11 =	vadd.s32 v15, v21;
	v15 =	vcvt.f32.s32 v26;
	v21 =	vsub.f32 v22, v33  }
0x5f: {  	v13 =	vadd.f32 v28, v13;
	vm3 =	vgt.f32 v18, v25;
	v22 =	vcvt.f32.s32 v24  }
0x60: {  	vm5 =	vgt.f32 v1, $8.191000000e+03;
	vm4 =	vgt.s32 v11, $0x0;
	v23 =	vadd.s32 v15, v23  }
0x61: {  	v13 =	vsel vm0, $0x0, v13;
	vm6 =	vgt.f32 v9, v24;
	v15 =	vcvt.f32.s32 v25;
	v1 =	vld [tilespmem:s0+$0x10]  }
0x62: {  	vm0 =	vmneg vm6;
	v10 =	vsel vm5, $0x0, v10;
	v8 =	vmul.f32 v8, v21;
	[tilespmem:s29+$0xFFFFFFF0] =	vst v13  }
0x63: {  	v12 =	vmul.f32 v16, v12;
	vm3 =	vmneg vm3;
	vm5 =	vgt.f32 v14, v32  }
0x64: {  	v8 =	vadd.f32 v8, v33;
	v13 =	vnsel vm4, $0x0, v11;
	v11 =	vsel vm0, $0xFFFFFFFF, v0  }
0x65: {  	v7 =	vadd.f32 v12, v7;
	v16 =	vsel vm3, $0xFFFFFFFF, v0;
	v11 =	vadd.s32 v22, v11;
	v21 =	vld [tilespmem:s0+$0x0]  }
0x66: {  	v12 =	vadd.s32 v15, v16;
	vm0 =	vgt.s32 v11, $0x0;
	v1 =	vmul.f32 $8.192000000e+03, v1;
	[tilespmem:s29+$0x10] =	vst v10  }
0x67: {  	v7 =	vsel vm2, $0x0, v7;
	vm3 =	vmneg vm5;
	v16 =	vnsel vm0, $0x0, v11  }
0x68: {  	v24 =	vadd.s32 $0x1, v13;
	v25 =	vadd.s32 $0x1, v16;
	v11 =	vmin.f32 v1, $8.191000000e+03;
	[tilespmem:s29+$0xFFFFFFE0] =	vst v7  }
0x69: {  	v15 =	vsel vm3, $0xFFFFFFFF, v0;
	v22 =	vsel vm1, $0x0, v8;
	v7 =	vcvt.f32.s32 v32  }
0x6a: {  	v8 =	vmin.f32 v6, $8.191000000e+03;
	vm0 =	vgt.s32 v23, $0x0;
	v10 =	vmul.f32 $8.192000000e+03, v21;
	[tilespmem:s29+$0x20] =	vst v22;
	s29 =	smov.u32 s30  }
0x6b: {  	vm1 =	vgt.s32 v12, $0x0;
	v7 =	vadd.s32 v7, v15;
	v22 =	vtrunc.f32 v8;
	v21 =	vld.idx.msk [tilespmem:v13+s5+$0x0], $0xffff  }
0x6c: {  	v32 =	vnsel vm1, $0x0, v12;
	vm2 =	vgt.f32 v8, v22;
	v15 =	vmin.f32 v10, $8.191000000e+03  }
0x6d: {  	v12 =	vcvt.s32.f32 v13;
	vm3 =	vgt.s32 v7, $0x0;
	v26 =	vld.idx.msk [tilespmem:v25+s5+$0x0], $0xffff;
	v13 =	vtrunc.f32 v15  }
0x6e: {  	v23 =	vnsel vm0, $0x0, v23;
	vm1 =	vmneg vm2;
	v24 =	vld.idx.msk [tilespmem:v24+s5+$0x0], $0xffff;
	vm0 =	vgt.f32 v15, v13  }
0x6f: {  	v33 =	vnsel vm3, $0x0, v7;
	v25 =	vsub.f32 v19, v12;
	vm0 =	vmneg vm0  }
0x70: {  	v12 =	vadd.s32 $0x1, v23;
	v13 =	vcvt.f32.s32 v13;
	v7 =	vld.idx.msk [tilespmem:v16+s5+$0x0], $0xffff;
	v19 =	vsel vm0, $0xFFFFFFFF, v0  }
0x71: {  	v34 =	vtrunc.f32 v11;
	vm0 =	vgt.f32 v20, $8.191000000e+03;
	v20 =	vcvt.s32.f32 v32  }
0x72: {  	v27 =	vcvt.s32.f32 v23;
	v28 =	vcvt.f32.s32 v34;
	v35 =	vadd.s32 v13, v19  }
.Ltmp0:
0x73: {  	v31 =	vadd.s32 $0x1, v32;
	vm2 =	vgt.s32 v35, $0x0;
	v19 =	vsub.f32 v18, v20;
	(pc) =	sbr.rel @p1 .LBB2_3-.Ltmp0, $4  }
0x74: {  	v29 =	vadd.s32 $0x1, v33;
	v36 =	vcvt.s32.f32 v33;
	v30 =	vsub.f32 v24, v21;
	v13 =	vld.idx.msk [tilespmem:v23+s5+$0x0], $0xffff  }
0x75: {  	v18 =	vsub.f32 v17, v27;
	v27 =	vnsel vm2, $0x0, v35;
	vm2 =	vgt.f32 v11, v34;
	v20 =	vld.idx.msk [tilespmem:v12+s5+$0x0], $0xffff  }
0x76: {  	vm2 =	vmneg vm2;
	v12 =	vsub.f32 v26, v7;
	v26 =	vadd.s32 $0x1, v27;
	v23 =	vld.idx.msk [tilespmem:v32+s5+$0x0], $0xffff  }
0x77: {  	s0 =	sadd.s32 $0x80, s0;
	v17 =	vsub.f32 v14, v36;
	v14 =	vsel vm1, $0xFFFFFFFF, v0;
	v32 =	vsel vm2, $0xFFFFFFFF, v0;
	v24 =	vld.idx.msk [tilespmem:v33+s5+$0x0], $0xffff  }
0x78: {  	_ =	sdelay $0x1  }
0x79: {  	v28 =	vadd.s32 v28, v32;
	v22 =	vcvt.f32.s32 v22  }
0x7a: {  	vm1 =	vgt.s32 v28, $0x0  }
0x7b: {  	v31 =	vld.idx.msk [tilespmem:v31+s5+$0x0], $0xffff;
	v28 =	vnsel vm1, $0x0, v28;
	v14 =	vadd.s32 v22, v14  }
0x7c: {  	v22 =	vld.idx.msk [tilespmem:v29+s5+$0x0], $0xffff;
	v29 =	vadd.s32 $0x1, v28;
	vm1 =	vgt.s32 v14, $0x0  }
0x7d: {  	v62 =	vld.idx.msk [tilespmem:v27+s5+$0x0], $0xffff;
	v14 =	vnsel vm1, $0x0, v14  }
0x7e: {  	v25 =	vmul.f32 v25, v30;
	v26 =	vld.idx.msk [tilespmem:v26+s5+$0x0], $0xffff;
	v30 =	vadd.s32 $0x1, v14  }
0x7f: {  	v16 =	vcvt.s32.f32 v16;
	vm2 =	vgt.f32 v5, $8.191000000e+03  }
0x80: {  	v5 =	vcvt.s32.f32 v27;
	vm1 =	vgt.f32 v3, $8.191000000e+03;
	v3 =	vadd.f32 v25, v21;
	v21 =	vld.idx.msk [tilespmem:v28+s5+$0x0], $0xffff  }
0x81: {  	vm3 =	vgt.f32 v4, $8.191000000e+03;
	v4 =	vsub.f32 v9, v16;
	v9 =	vsub.f32 v31, v23;
	v16 =	vld.idx.msk [tilespmem:v29+s5+$0x0], $0xffff  }
0x82: {  	v20 =	vsub.f32 v20, v13;
	v5 =	vsub.f32 v15, v5;
	v15 =	vcvt.s32.f32 v28;
	v25 =	vld.idx.msk [tilespmem:v14+s5+$0x0], $0xffff  }
0x83: {  	v22 =	vsub.f32 v22, v24;
	v9 =	vmul.f32 v19, v9;
	v19 =	vsub.f32 v26, v62;
	v26 =	vld.idx.msk [tilespmem:v30+s5+$0x0], $0xffff  }
0x84: {  	v18 =	vmul.f32 v18, v20;
	v11 =	vsub.f32 v11, v15;
	v3 =	vsel vm2, $0x0, v3  }
0x85: {  	v15 =	vmul.f32 v17, v22;
	v9 =	vadd.f32 v9, v23;
	v5 =	vmul.f32 v5, v19  }
0x86: {  	vm2 =	vgt.f32 v10, $8.191000000e+03;
	v14 =	vcvt.s32.f32 v14;
	v10 =	vsub.f32 v16, v21  }
0x87: {  	v15 =	vadd.f32 v15, v24;
	v9 =	vsel vm3, $0x0, v9;
	v5 =	vadd.f32 v5, v62  }
0x88: {  	[tilespmem:s29+$0xFFFFFFC0] =	vst v3;
	v8 =	vsub.f32 v8, v14;
	v3 =	vmul.f32 v11, v10;
	v10 =	vsub.f32 v26, v25  }
0x89: {  	v4 =	vmul.f32 v4, v12;
	[tilespmem:s29+$0x30] =	vst v9;
	v9 =	vadd.f32 v18, v13;
	v5 =	vsel vm2, $0x0, v5  }
0x8a: {  	[tilespmem:s29+$0x0] =	vst v5;
	v11 =	vsel vm1, $0x0, v15;
	v3 =	vadd.f32 v3, v21;
	v5 =	vmul.f32 v8, v10  }
0x8b: {  	v4 =	vadd.f32 v4, v7;
	vm1 =	vgt.f32 v1, $8.191000000e+03;
	v1 =	vsel vm0, $0x0, v9;
	[tilespmem:s29+$0xFFFFFFD0] =	vst v11  }
0x8c: {  	vm0 =	vgt.f32 v2, $8.191000000e+03;
	[tilespmem:s29+$0xFFFFFFF0] =	vst v1;
	v1 =	vsel vm1, $0x0, v3;
	v2 =	vadd.f32 v5, v25  }
0x8d: {  	vm1 =	vgt.f32 v6, $8.191000000e+03;
	[tilespmem:s29+$0x10] =	vst v1;
	v1 =	vsel vm0, $0x0, v4  }
0x8e: {  	s0 =	sadd.s32 s4, s28;
	[tilespmem:s29+$0xFFFFFFE0] =	vst v1;
	v1 =	vsel vm1, $0x0, v2  }
0x8f: {  	s0 =	sadd.s32 s26, s0;
	[tilespmem:s29+$0x20] =	vst v1  }
0x90: {  	[hbm4b:s0+s10] =	stream.strided.scatter [tilespmem:s17], [sflag:$0x5], $0x2000, s11, s10, $0x38;
	[tilespmem:$0xC000] =	vst v63  }
0x91: {  	s0 =	sor.u32 $0x1, s25  }
0x92: {  	p1 =	seq.s32 s24, $0x1F;
	s25 =	sor.u32 s6, s0  }
0x93: {  	s26 =	sadd.s32 @!p1 $0x1, s25  }
0x94: {  	s28 =	sshll.u32 @!p1 s26, $0xA;
	s26 =	sshll.u32 @!p1 s26, $0x4  }
0x95: {  	s28 =	sand.u32 @!p1 $0xFFFE000, s28;
	s26 =	sand.u32 @!p1 $0x60, s26  }
0x96: {  	s30 =	simm.s32 @!p1 $0x400;
	s26 =	sor.u32 @!p1 s26, s28  }
0x97: {  	s31 =	simm.s32 @!p1 $0x0;
	s29 =	simm.s32 @!p1 $0x80;
	s28 =	sadd.s32 @!p1 s1, s26  }
0x98: {  	[tilespmem:s31], [sflag:$0x1] =	stream.strided.gather @!p1 [hbm4b:s28+s29], $0x2000, s30, s29, $0x38;
	[tilespmem:$0xC000] =	vst v63  }
0x99: {  	s26 =	sadd.s32 @!p1 s3, s26;
	s28 =	simm.s32 @!p1 $0x4000  }
0x9a: {  	[tilespmem:s28], [sflag:$0x3] =	stream.strided.gather @!p1 [hbm4b:s26+s29], $0x2000, s30, s29, $0x38;
	[tilespmem:$0xC000] =	vst v63  }
0x9b: {  	_ =	swait.ge [sflag:s18], $0x2000  }
0x9c: {  	[sflag:s18] =	ssyncset.done $0x0  }
0x9d: {  	[sflag:s18] =	ssyncadd.s32 $0xFFFFE000  }
0x9e: {  	_ =	swait.ge [sflag:s19], $0x2000  }
0x9f: {  	[sflag:s19] =	ssyncset.done $0x0  }
0xa0: {  	s26 =	simm.s32 @!p0 $0x6;
	[sflag:s19] =	ssyncadd.s32 $0xFFFFE000  }
0xa1: {  	_ =	swait.ge @!p0 [sflag:s26], $0x2000  }
0xa2: {  	[sflag:s26] =	ssyncset.done @!p0 $0x0  }
0xa3: {  	s31 =	simm.s32 $0x6040;
	[sflag:s26] =	ssyncadd.s32 @!p0 $0xFFFFE000  }
0xa4: {  	v1 =	vld [tilespmem:s31+$0xFFFFFFD0]  }
0xa5: {  	v2 =	vld [tilespmem:s31+$0x30]  }
0xa6: {  	v4 =	vld [tilespmem:s31+$0xFFFFFFC0]  }
0xa7: {  	v6 =	vld [tilespmem:s31+$0xFFFFFFF0];
	_ =	sdelay $0x2  }
0xa8: {  	v3 =	vmul.f32 $8.192000000e+03, v1  }
0xa9: {  	v5 =	vmul.f32 $8.192000000e+03, v4;
	v4 =	vmul.f32 $8.192000000e+03, v2  }
0xaa: {  	v1 =	vld [tilespmem:s31+$0xFFFFFFE0];
	v12 =	vmul.f32 $8.192000000e+03, v6  }
0xab: {  	v6 =	vld [tilespmem:s31+$0x20];
	v15 =	vmin.f32 v3, $8.191000000e+03;
	v7 =	vmin.f32 v5, $8.191000000e+03;
	v13 =	vmin.f32 v4, $8.191000000e+03  }
0xac: {  	v17 =	vmin.f32 v12, $8.191000000e+03;
	v8 =	vtrunc.f32 v7;
	v10 =	vtrunc.f32 v15  }
0xad: {  	v11 =	vtrunc.f32 v17;
	v18 =	vtrunc.f32 v13  }
0xae: {  	vm0 =	vgt.f32 v7, v8;
	vm1 =	vgt.f32 v17, v11;
	v8 =	vcvt.f32.s32 v8  }
0xaf: {  	v21 =	vcvt.f32.s32 v10;
	v2 =	vmul.f32 $8.192000000e+03, v1;
	vm0 =	vmneg vm0  }
0xb0: {  	vm1 =	vmneg vm1;
	v6 =	vmul.f32 $8.192000000e+03, v6;
	v1 =	vsel vm0, $0xFFFFFFFF, v0  }
0xb1: {  	v14 =	vsel vm1, $0xFFFFFFFF, v0;
	vm1 =	vgt.f32 v13, v18;
	v9 =	vmin.f32 v2, $8.191000000e+03  }
0xb2: {  	v1 =	vadd.s32 v8, v1;
	v8 =	vcvt.f32.s32 v11;
	vm1 =	vmneg vm1  }
0xb3: {  	v16 =	vtrunc.f32 v9;
	vm2 =	vgt.s32 v1, $0x0;
	v20 =	vsel vm1, $0xFFFFFFFF, v0  }
0xb4: {  	v11 =	vcvt.f32.s32 v16;
	vm0 =	vgt.f32 v9, v16;
	v19 =	vadd.s32 v8, v14  }
0xb5: {  	v16 =	vld [tilespmem:s31+$0x10];
	v8 =	vcvt.f32.s32 v18;
	v18 =	vnsel vm2, $0x0, v1;
	vm0 =	vmneg vm0  }
0xb6: {  	v22 =	vadd.s32 $0x1, v18;
	v25 =	vcvt.s32.f32 v18;
	v14 =	vsel vm0, $0xFFFFFFFF, v0  }
0xb7: {  	vm0 =	vgt.f32 v15, v10;
	v20 =	vadd.s32 v8, v20;
	v11 =	vadd.s32 v11, v14;
	v14 =	vld [tilespmem:s31+$0x0]  }
0xb8: {  	v8 =	vmin.f32 v6, $8.191000000e+03;
	vm0 =	vmneg vm0;
	v25 =	vsub.f32 v7, v25  }
0xb9: {  	vm1 =	vgt.s32 v11, $0x0;
	v24 =	vsel vm0, $0xFFFFFFFF, v0;
	vm0 =	vgt.s32 v19, $0x0  }
0xba: {  	v1 =	vmul.f32 $8.192000000e+03, v16;
	v16 =	vnsel vm1, $0x0, v11;
	v24 =	vadd.s32 v21, v24  }
0xbb: {  	v21 =	vtrunc.f32 v8;
	vm1 =	vgt.s32 v20, $0x0;
	v23 =	vadd.s32 $0x1, v16  }
0xbc: {  	vm2 =	vgt.f32 v8, v21;
	v63 =	vnsel vm1, $0x0, v20;
	v20 =	vld.idx.msk [tilespmem:v18+s13+$0x0], $0xffff;
	v10 =	vmul.f32 $8.192000000e+03, v14  }
0xbd: {  	vm3 =	vgt.s32 v24, $0x0;
	v18 =	vnsel vm0, $0x0, v19;
	v22 =	vld.idx.msk [tilespmem:v22+s13+$0x0], $0xffff;
	v11 =	vmin.f32 v1, $8.191000000e+03  }
0xbe: {  	vm1 =	vmneg vm2;
	v24 =	vnsel vm3, $0x0, v24;
	v14 =	vmin.f32 v10, $8.191000000e+03  }
0xbf: {  	v27 =	vadd.s32 $0x1, v18;
	v28 =	vcvt.s32.f32 v63;
	v26 =	vtrunc.f32 v14  }
0xc0: {  	v33 =	vcvt.s32.f32 v18;
	v31 =	vadd.s32 $0x1, v63;
	vm0 =	vgt.f32 v14, v26  }
0xc1: {  	v29 =	vadd.s32 $0x1, v24;
	v7 =	vld.idx.msk [tilespmem:v16+s13+$0x0], $0xffff;
	v19 =	vcvt.f32.s32 v26;
	vm0 =	vmneg vm0  }
0xc2: {  	v35 =	vcvt.s32.f32 v24;
	v23 =	vld.idx.msk [tilespmem:v23+s13+$0x0], $0xffff;
	v30 =	vsub.f32 v22, v20;
	v26 =	vsel vm0, $0xFFFFFFFF, v0  }
0xc3: {  	vm0 =	vgt.f32 v12, $8.191000000e+03;
	v12 =	vtrunc.f32 v11;
	v34 =	vadd.s32 v19, v26  }
0xc4: {  	v22 =	vld.idx.msk [tilespmem:v27+s13+$0x0], $0xffff;
	v26 =	vcvt.f32.s32 v12;
	v19 =	vsub.f32 v13, v28;
	vm2 =	vgt.s32 v34, $0x0  }
0xc5: {  	s0 =	sshll.u32 s0, $0x4;
	s25 =	sshll.u32 s25, $0xA;
	v13 =	vld.idx.msk [tilespmem:v18+s13+$0x0], $0xffff;
	v18 =	vsub.f32 v17, v33;
	v27 =	vnsel vm2, $0x0, v34;
	vm2 =	vgt.f32 v11, v12  }
0xc6: {  	s25 =	sand.u32 $0x1FE000, s25;
	s29 =	simm.s32 $0xA040;
	s30 =	simm.s32 $0x0;
	v24 =	vld.idx.msk [tilespmem:v24+s13+$0x0], $0xffff;
	v17 =	vsub.f32 v15, v35;
	v15 =	vsel vm1, $0xFFFFFFFF, v0;
	vm2 =	vmneg vm2  }
0xc7: {  	s28 =	simm.s32 $0xA040;
	s26 =	sand.u32 $0x70, s0;
	s0 =	simm.s32 $0x60C0;
	v12 =	vsub.f32 v23, v7;
	v23 =	vld.idx.msk [tilespmem:v63+s13+$0x0], $0xffff;
	v28 =	vadd.s32 $0x1, v27;
	v32 =	vsel vm2, $0xFFFFFFFF, v0  }
.LBB2_5:
0xc8: {  	s30 =	sadd.s32 $0x80, s30;
	v25 =	vmul.f32 v25, v30;
	v16 =	vcvt.s32.f32 v16;
	vm1 =	vgt.f32 v6, $8.191000000e+03;
	v6 =	vld.idx.msk [tilespmem:v31+s13+$0x0], $0xffff;
	s29 =	sadd.s32 $0x80, s29  }
0xc9: {  	vm5 =	vgt.f32 v5, $8.191000000e+03;
	vm3 =	vgt.f32 v3, $8.191000000e+03;
	vm4 =	vgt.f32 v4, $8.191000000e+03;
	p0 =	slt.u32 s30, $0x1F80;
	v5 =	vld.idx.msk [tilespmem:v29+s13+$0x0], $0xffff  }
0xca: {  	vm2 =	vgt.f32 v2, $8.191000000e+03;
	v3 =	vadd.f32 v25, v20;
	v16 =	vsub.f32 v9, v16;
	v9 =	vld.idx.msk [tilespmem:v27+s13+$0x0], $0xffff  }
0xcb: {  	v21 =	vcvt.f32.s32 v21;
	v4 =	vsub.f32 v22, v13;
	v20 =	vadd.s32 v26, v32;
	v2 =	vld [tilespmem:s0+$0xFFFFFFD0]  }
0xcc: {  	v25 =	vcvt.s32.f32 v27;
	v22 =	vld [tilespmem:s0+$0x30];
	v3 =	vsel vm5, $0x0, v3;
	vm5 =	vgt.s32 v20, $0x0  }
0xcd: {  	v27 =	vmul.f32 v18, v4;
	v4 =	vadd.s32 v21, v15;
	v26 =	vld [tilespmem:s0+$0xFFFFFFC0];
	[tilespmem:s28+$0xFFFFFFC0] =	vst v3;
	v18 =	vnsel vm5, $0x0, v20  }
0xce: {  	v14 =	vsub.f32 v14, v25;
	v20 =	vld [tilespmem:s0+$0xFFFFFFF0];
	v21 =	vadd.s32 $0x1, v18;
	v15 =	vcvt.s32.f32 v18  }
0xcf: {  	vm5 =	vgt.s32 v4, $0x0;
	v6 =	vsub.f32 v6, v23;
	v25 =	vsub.f32 v5, v24;
	v28 =	vld.idx.msk [tilespmem:v28+s13+$0x0], $0xffff  }
0xd0: {  	v3 =	vmul.f32 $8.192000000e+03, v2;
	v29 =	vld [tilespmem:s0+$0x20];
	v11 =	vsub.f32 v11, v15;
	v2 =	vnsel vm5, $0x0, v4  }
0xd1: {  	v30 =	vld [tilespmem:s0+$0xFFFFFFE0];
	v4 =	vmul.f32 $8.192000000e+03, v22;
	v31 =	vadd.s32 $0x1, v2;
	v32 =	vcvt.s32.f32 v2  }
0xd2: {  	v25 =	vmul.f32 v17, v25;
	v5 =	vmul.f32 $8.192000000e+03, v26;
	v15 =	vmin.f32 v3, $8.191000000e+03;
	v26 =	vld.idx.msk [tilespmem:v18+s13+$0x0], $0xffff  }
0xd3: {  	v6 =	vmul.f32 v19, v6;
	v22 =	vmul.f32 $8.192000000e+03, v20;
	v18 =	vmin.f32 v4, $8.191000000e+03;
	v20 =	vld.idx.msk [tilespmem:v21+s13+$0x0], $0xffff  }
0xd4: {  	vm5 =	vgt.f32 v10, $8.191000000e+03;
	v21 =	vtrunc.f32 v15;
	v19 =	vmin.f32 v5, $8.191000000e+03  }
0xd5: {  	v10 =	vadd.f32 v25, v24;
	v24 =	vsub.f32 v28, v9;
	v17 =	vmin.f32 v22, $8.191000000e+03  }
0xd6: {  	v6 =	vadd.f32 v6, v23;
	v25 =	vtrunc.f32 v19;
	v28 =	vtrunc.f32 v17;
	v33 =	vld.idx.msk [tilespmem:v2+s13+$0x0], $0xffff  }
0xd7: {  	vm6 =	vgt.f32 v19, v25;
	v2 =	vmul.f32 $8.192000000e+03, v30;
	v14 =	vmul.f32 v14, v24;
	v23 =	vld.idx.msk [tilespmem:v31+s13+$0x0], $0xffff  }
0xd8: {  	v6 =	vsel vm4, $0x0, v6;
	vm6 =	vmneg vm6;
	vm7 =	vgt.f32 v17, v28  }
0xd9: {  	vm4 =	vmneg vm7;
	v9 =	vadd.f32 v14, v9;
	v14 =	vsub.f32 v20, v26;
	[tilespmem:s28+$0x30] =	vst v6  }
0xda: {  	v20 =	vsel vm6, $0xFFFFFFFF, v0;
	v24 =	vsel vm4, $0xFFFFFFFF, v0;
	v6 =	vmul.f32 $8.192000000e+03, v29  }
0xdb: {  	v10 =	vsel vm3, $0x0, v10;
	v29 =	vsel vm5, $0x0, v9;
	v11 =	vmul.f32 v11, v14  }
0xdc: {  	v8 =	vsub.f32 v8, v32;
	v14 =	vcvt.f32.s32 v25;
	v9 =	vmin.f32 v2, $8.191000000e+03;
	[tilespmem:s28+$0x0] =	vst v29  }
0xdd: {  	v25 =	vtrunc.f32 v9;
	v29 =	vtrunc.f32 v18;
	[tilespmem:s28+$0xFFFFFFD0] =	vst v10;
	v10 =	vadd.f32 v11, v26  }
0xde: {  	v11 =	vadd.s32 v14, v20;
	v14 =	vcvt.f32.s32 v28;
	v20 =	vsub.f32 v23, v33  }
0xdf: {  	v13 =	vadd.f32 v27, v13;
	v23 =	vcvt.f32.s32 v25;
	vm3 =	vgt.f32 v18, v29  }
0xe0: {  	vm5 =	vgt.f32 v1, $8.191000000e+03;
	vm4 =	vgt.s32 v11, $0x0;
	v24 =	vadd.s32 v14, v24  }
0xe1: {  	v13 =	vsel vm0, $0x0, v13;
	vm6 =	vgt.f32 v9, v25;
	v14 =	vcvt.f32.s32 v29;
	v1 =	vld [tilespmem:s0+$0x10]  }
0xe2: {  	vm0 =	vmneg vm6;
	v10 =	vsel vm5, $0x0, v10;
	v8 =	vmul.f32 v8, v20;
	[tilespmem:s28+$0xFFFFFFF0] =	vst v13  }
0xe3: {  	v12 =	vmul.f32 v16, v12;
	vm3 =	vmneg vm3;
	vm5 =	vgt.f32 v15, v21  }
0xe4: {  	v8 =	vadd.f32 v8, v33;
	v13 =	vnsel vm4, $0x0, v11;
	v11 =	vsel vm0, $0xFFFFFFFF, v0  }
0xe5: {  	v7 =	vadd.f32 v12, v7;
	v16 =	vsel vm3, $0xFFFFFFFF, v0;
	v11 =	vadd.s32 v23, v11;
	v20 =	vld [tilespmem:s0+$0x0]  }
0xe6: {  	v12 =	vadd.s32 v14, v16;
	vm0 =	vgt.s32 v11, $0x0;
	v1 =	vmul.f32 $8.192000000e+03, v1;
	[tilespmem:s28+$0x10] =	vst v10  }
0xe7: {  	v7 =	vsel vm2, $0x0, v7;
	vm3 =	vmneg vm5;
	v16 =	vnsel vm0, $0x0, v11  }
0xe8: {  	v23 =	vadd.s32 $0x1, v13;
	v25 =	vadd.s32 $0x1, v16;
	v11 =	vmin.f32 v1, $8.191000000e+03;
	[tilespmem:s28+$0xFFFFFFE0] =	vst v7  }
0xe9: {  	v14 =	vsel vm3, $0xFFFFFFFF, v0;
	v7 =	vcvt.f32.s32 v21;
	v21 =	vsel vm1, $0x0, v8  }
0xea: {  	vm0 =	vgt.s32 v24, $0x0;
	v8 =	vmin.f32 v6, $8.191000000e+03;
	v10 =	vmul.f32 $8.192000000e+03, v20;
	[tilespmem:s28+$0x20] =	vst v21;
	s28 =	smov.u32 s29  }
0xeb: {  	vm1 =	vgt.s32 v12, $0x0;
	v7 =	vadd.s32 v7, v14;
	v21 =	vtrunc.f32 v8;
	v20 =	vld.idx.msk [tilespmem:v13+s13+$0x0], $0xffff  }
0xec: {  	v32 =	vnsel vm1, $0x0, v12;
	vm2 =	vgt.f32 v8, v21;
	v14 =	vmin.f32 v10, $8.191000000e+03  }
0xed: {  	v12 =	vcvt.s32.f32 v13;
	vm3 =	vgt.s32 v7, $0x0;
	v28 =	vld.idx.msk [tilespmem:v25+s13+$0x0], $0xffff;
	v13 =	vtrunc.f32 v14  }
0xee: {  	v24 =	vnsel vm0, $0x0, v24;
	vm1 =	vmneg vm2;
	v23 =	vld.idx.msk [tilespmem:v23+s13+$0x0], $0xffff;
	vm0 =	vgt.f32 v14, v13  }
0xef: {  	v33 =	vnsel vm3, $0x0, v7;
	v25 =	vsub.f32 v19, v12;
	vm0 =	vmneg vm0  }
0xf0: {  	v12 =	vadd.s32 $0x1, v24;
	v13 =	vcvt.f32.s32 v13;
	v7 =	vld.idx.msk [tilespmem:v16+s13+$0x0], $0xffff;
	v19 =	vsel vm0, $0xFFFFFFFF, v0  }
0xf1: {  	v34 =	vtrunc.f32 v11;
	vm0 =	vgt.f32 v22, $8.191000000e+03;
	v22 =	vcvt.s32.f32 v32  }
0xf2: {  	v27 =	vcvt.s32.f32 v24;
	v26 =	vcvt.f32.s32 v34;
	v35 =	vadd.s32 v13, v19  }
.Ltmp1:
0xf3: {  	v31 =	vadd.s32 $0x1, v32;
	vm2 =	vgt.s32 v35, $0x0;
	v19 =	vsub.f32 v18, v22;
	(pc) =	sbr.rel @p0 .LBB2_5-.Ltmp1, $4  }
0xf4: {  	v29 =	vadd.s32 $0x1, v33;
	v36 =	vcvt.s32.f32 v33;
	v30 =	vsub.f32 v23, v20;
	v13 =	vld.idx.msk [tilespmem:v24+s13+$0x0], $0xffff  }
0xf5: {  	v18 =	vsub.f32 v17, v27;
	v27 =	vnsel vm2, $0x0, v35;
	vm2 =	vgt.f32 v11, v34;
	v22 =	vld.idx.msk [tilespmem:v12+s13+$0x0], $0xffff  }
0xf6: {  	vm2 =	vmneg vm2;
	v12 =	vsub.f32 v28, v7;
	v28 =	vadd.s32 $0x1, v27;
	v23 =	vld.idx.msk [tilespmem:v32+s13+$0x0], $0xffff  }
0xf7: {  	s0 =	sadd.s32 $0x80, s0;
	v17 =	vsub.f32 v15, v36;
	v15 =	vsel vm1, $0xFFFFFFFF, v0;
	v32 =	vsel vm2, $0xFFFFFFFF, v0;
	v24 =	vld.idx.msk [tilespmem:v33+s13+$0x0], $0xffff  }
0xf8: {  	_ = 	snop  }
0xf9: {  	v26 =	vadd.s32 v26, v32;
	v21 =	vcvt.f32.s32 v21  }
0xfa: {  	vm1 =	vgt.s32 v26, $0x0  }
0xfb: {  	v26 =	vnsel vm1, $0x0, v26;
	v15 =	vadd.s32 v21, v15  }
0xfc: {  	v31 =	vld.idx.msk [tilespmem:v31+s13+$0x0], $0xffff;
	v46 =	vadd.s32 $0x1, v26;
	vm10 =	vgt.s32 v15, $0x0  }
0xfd: {  	v47 =	vld.idx.msk [tilespmem:v27+s13+$0x0], $0xffff;
	v15 =	vnsel vm10, $0x0, v15  }
0xfe: {  	v25 =	vmul.f32 v25, v30;
	v28 =	vld.idx.msk [tilespmem:v28+s13+$0x0], $0xffff;
	v48 =	vadd.s32 $0x1, v15  }
0xff: {  	v45 =	vld.idx.msk [tilespmem:v29+s13+$0x0], $0xffff;
	v16 =	vcvt.s32.f32 v16;
	vm2 =	vgt.f32 v5, $8.191000000e+03;
	vm11 =	vgt.f32 v3, $8.191000000e+03  }
0x100: {  	v49 =	vcvt.s32.f32 v27;
	vm3 =	vgt.f32 v4, $8.191000000e+03;
	vm12 =	vgt.f32 v10, $8.191000000e+03;
	v50 =	vld.idx.msk [tilespmem:v26+s13+$0x0], $0xffff  }
0x101: {  	vm13 =	vgt.f32 v1, $8.191000000e+03;
	v3 =	vadd.f32 v25, v20;
	v22 =	vsub.f32 v22, v13;
	v53 =	vld.idx.msk [tilespmem:v46+s13+$0x0], $0xffff  }
0x102: {  	v51 =	vsub.f32 v9, v16;
	v5 =	vsub.f32 v14, v49;
	v54 =	vcvt.s32.f32 v26;
	v55 =	vld.idx.msk [tilespmem:v15+s13+$0x0], $0xffff  }
0x103: {  	v18 =	vmul.f32 v18, v22;
	v52 =	vsub.f32 v31, v23;
	v56 =	vsub.f32 v28, v47;
	v57 =	vld.idx.msk [tilespmem:v48+s13+$0x0], $0xffff  }
0x104: {  	v3 =	vsel vm2, $0x0, v3;
	v21 =	vsub.f32 v45, v24;
	v11 =	vsub.f32 v11, v54  }
0x105: {  	v61 =	vadd.f32 v18, v13;
	v9 =	vmul.f32 v19, v52;
	v5 =	vmul.f32 v5, v56  }
0x106: {  	v58 =	vmul.f32 v17, v21;
	v15 =	vcvt.s32.f32 v15;
	v59 =	vsub.f32 v53, v50  }
0x107: {  	v1 =	vsel vm0, $0x0, v61;
	v9 =	vadd.f32 v9, v23;
	v5 =	vadd.f32 v5, v47  }
0x108: {  	[tilespmem:s28+$0xFFFFFFC0] =	vst v3;
	v8 =	vsub.f32 v8, v15;
	v3 =	vmul.f32 v11, v59;
	v60 =	vsub.f32 v57, v55  }
0x109: {  	v4 =	vmul.f32 v51, v12;
	v14 =	vadd.f32 v58, v24;
	[tilespmem:s28+$0xFFFFFFF0] =	vst v1;
	v9 =	vsel vm3, $0x0, v9  }
0x10a: {  	s24 =	sadd.s32 $0x1, s24;
	v5 =	vsel vm12, $0x0, v5;
	[tilespmem:s28+$0x30] =	vst v9;
	v3 =	vadd.f32 v3, v50;
	v63 =	vmul.f32 v8, v60  }
0x10b: {  	p0 =	sne.s32 s24, $0x20;
	v4 =	vadd.f32 v4, v7;
	v62 =	vsel vm11, $0x0, v14;
	[tilespmem:s28+$0x0] =	vst v5  }
.Ltmp2:
0x10c: {  	vm14 =	vgt.f32 v2, $8.191000000e+03;
	[tilespmem:s28+$0xFFFFFFD0] =	vst v62;
	v1 =	vsel vm13, $0x0, v3;
	v2 =	vadd.f32 v63, v55;
	(pc) =	sbr.rel @p0 .LBB2_2-.Ltmp2, $4  }
0x10d: {  	vm15 =	vgt.f32 v6, $8.191000000e+03;
	[tilespmem:s28+$0x10] =	vst v1;
	v1 =	vsel vm14, $0x0, v4  }
0x10e: {  	s0 =	sadd.s32 s4, s26;
	[tilespmem:s28+$0xFFFFFFE0] =	vst v1;
	v1 =	vsel vm15, $0x0, v2  }
0x10f: {  	s0 =	sadd.s32 s25, s0;
	[tilespmem:s28+$0x20] =	vst v1  }
0x110: {  	[hbm4b:s0+s10] =	stream.strided.scatter [tilespmem:s20], [sflag:$0x6], $0x2000, s11, s10, $0x38;
	[tilespmem:$0xC000] =	vst v63  }
0x111: {  	s23 =	sadd.s32 $0x1, s23  }
0x112: {  	_ =	swait.ge [sflag:s21], $0x2000;
	p0 =	sne.s32 s23, s9  }
.Ltmp3:
0x113: {  	[sflag:s21] =	ssyncset.done $0x0;
	(pc) =	sbr.rel @p0 .LBB2_1-.Ltmp3, $4  }
0x114: {  	[sflag:s21] =	ssyncadd.s32 $0xFFFFE000  }
0x115: {  	_ =	swait.ge [sflag:s22], $0x2000  }
0x116: {  	[sflag:s22] =	ssyncset.done $0x0  }
0x117: {  	[sflag:s22] =	ssyncadd.s32 $0xFFFFE000  }
0x118: {  	_ =	sfence.sel $0x180000  }
0x119: {  	[bflag:$0x0] =	sbarrier.arrive $0xFFFF  }
0x11a: {  	_ =	strace $0x90000047  }
0x11b: {  	[bflag:$0x2] =	sbarrier.arrive $0xFFFF  }
0x11c: {  	p0 =	sne.s32 s2, $0x0;
	s0 =	rddreg [dreg:$0x3]  }
0x11d: {  	s0 =	sadd.s32 @!p0 $0x100000, s0  }
0x11e: {  	[sflag:s0] =	ssyncadd.tile.s32 @!p0 $0x1;
	_ =	shalt  }
.Lfunc_end2:
_tile_overlayer_lowered:
.L_overlay_start_2:
0x11f: {  	(tag) =	ssettag $0x2  }
0x120: {  	s0 =	rddreg [dreg:$0x0];
	s2 =	stileid.u32  }
0x121: {  	s1 =	rddreg [dreg:$0x1];
	p0 =	sne.s32 s2, $0x0  }
0x122: {  	s3 =	rddreg [dreg:$0x2];
	[bflag:$0x3] =	sbarrier.arrive $0xFFFF;
	s2 =	simm.s32 @!p0 $0x1C07  }
0x123: {  	[timem:s3], [sflag:s2] =	dma.local @!p0 [hbm:s0], s1  }
0x124: {  	s0 =	simm.s32 @!p0 $0x7  }
0x125: {  	_ =	swait.ge @!p0 [sflag:s0], s1  }
0x126: {  	s1 =	ssub.s32 @!p0 $0x0, s1;
	[sflag:s0] =	ssyncset.done @!p0 $0x0  }
0x127: {  	[sflag:s0] =	ssyncadd.s32 @!p0 s1  }
0x128: {  	[bflag:$0x3] =	sbarrier.arrive $0xFFFF  }
0x129: {  	_ =	shalt  }

</sc_bundles>
